<compile_context>
chip_gen: v7x
topology: tpu7x:2x2x1
jax: 0.10.2.dev20260603
libtpu: 0.0.44.dev20260713+nightly
codegen_flags: <defaults>
</compile_context>

<pallas_src>
import functools

import jax
import jax.numpy as jnp
from jax import lax
from jax.experimental import pallas as pl
from jax.experimental.pallas import tpu as pltpu
from jax.experimental.pallas import tpu_sc as plsc

N_E = 8192
E_DIM = 320
S7 = 7
NSP = 49
M = 1024
SROW = 6272
CBLK = 256
NSTEP = N_E // CBLK
BANK_BLK = N_E // NSTEP
BETA = 0.25


def _argmin_body(zf_ref, e_ref, idx_ref, val_ref, loss_ref,
                 zbf_ref, s1_ref, best_val_ref, best_idx_ref):
    j = pl.program_id(0)

    @pl.when(j == 0)
    def _init():
        zf = zf_ref[...]
        zbf_ref[...] = zf.astype(jnp.bfloat16)
        z2 = (zf * zf).astype(jnp.bfloat16)
        ones = jnp.ones((1, E_DIM), jnp.bfloat16)
        s1_ref[...] = lax.dot_general(ones, z2, (((1,), (1,)), ((), ())),
                                      preferred_element_type=jnp.float32)
        best_val_ref[...] = jnp.full((1, M), jnp.inf, jnp.float32)
        best_idx_ref[...] = jnp.zeros((1, M), jnp.int32)

    e_blk = e_ref[...]
    e_bf = e_blk.astype(jnp.bfloat16)
    mm = lax.dot_general(e_bf, zbf_ref[...], (((1,), (1,)), ((), ())),
                         preferred_element_type=jnp.float32)
    s2 = jnp.sum(e_blk * e_blk, axis=1, keepdims=True)
    d = (s2 + s1_ref[...]) - 2.0 * mm

    blk_min = jnp.min(d, axis=0, keepdims=True)
    row_ids = lax.broadcasted_iota(jnp.int32, (CBLK, M), 0)
    cand = jnp.where(d == blk_min, row_ids, jnp.int32(N_E))
    blk_arg = jnp.min(cand, axis=0, keepdims=True) + j * CBLK

    upd = blk_min < best_val_ref[...]
    best_idx_ref[...] = jnp.where(upd, blk_arg, best_idx_ref[...])
    best_val_ref[...] = jnp.where(upd, blk_min, best_val_ref[...])

    @pl.when(j == NSTEP - 1)
    def _fini():
        idx_ref[...] = best_idx_ref[...]
        val_ref[...] = best_val_ref[...]
        tot = jnp.sum(best_val_ref[...], keepdims=True)
        loss_ref[...] = (1.0 + BETA) * tot.reshape(1, 1) / (M * E_DIM)


def _tc_argmin(zf, emb):
    return pl.pallas_call(
        _argmin_body,
        grid=(NSTEP,),
        in_specs=[
            pl.BlockSpec((M, E_DIM), lambda j: (0, 0)),
            pl.BlockSpec((CBLK, E_DIM), lambda j: (j, 0)),
        ],
        out_specs=[
            pl.BlockSpec((1, M), lambda j: (0, 0)),
            pl.BlockSpec((1, M), lambda j: (0, 0)),
            pl.BlockSpec((1, 1), lambda j: (0, 0)),
        ],
        out_shape=[
            jax.ShapeDtypeStruct((1, M), jnp.int32),
            jax.ShapeDtypeStruct((1, M), jnp.float32),
            jax.ShapeDtypeStruct((1, 1), jnp.float32),
        ],
        scratch_shapes=[
            pltpu.VMEM((M, E_DIM), jnp.bfloat16),
            pltpu.VMEM((1, M), jnp.float32),
            pltpu.VMEM((1, M), jnp.float32),
            pltpu.VMEM((1, M), jnp.int32),
        ],
        compiler_params=pltpu.CompilerParams(
            dimension_semantics=("arbitrary",),
        ),
    )(zf, emb)


ZBLK = 1024
NZSTEP = N_E // ZBLK


def _dedup_zq_body(idx_col_ref, idx_row_ref, e_ref, src_ref, dstp_ref,
                   srcp_ref, zq_ref, acc_ref):
    t = pl.program_id(0)

    @pl.when(t == 0)
    def _dedup():
        col_b = lax.broadcasted_iota(jnp.int32, (M, M), 1)
        eq = idx_col_ref[...] == idx_row_ref[...]
        cand = jnp.where(eq, col_b, jnp.int32(-1))
        src_col = jnp.max(cand, axis=1, keepdims=True)
        src_ref[...] = src_col
        acc_ref[...] = jnp.zeros((M, E_DIM), jnp.float32)
        s_row = lax.broadcasted_iota(jnp.int32, (M, NSP), 1)
        dstp_ref[...] = idx_col_ref[...] + s_row * N_E
        srcp_ref[...] = src_col + s_row * M

    codes = lax.broadcasted_iota(jnp.int32, (1, ZBLK), 1) + t * ZBLK
    oh = (idx_col_ref[...] == codes).astype(jnp.bfloat16)
    e_bf = e_ref[...].astype(jnp.bfloat16)
    acc_ref[...] += lax.dot_general(oh, e_bf, (((1,), (0,)), ((), ())),
                                    preferred_element_type=jnp.float32)

    @pl.when(t == NZSTEP - 1)
    def _fini():
        zq_ref[...] = acc_ref[...]


def _tc_dedup_zq(idx_col, idx_row, emb):
    return pl.pallas_call(
        _dedup_zq_body,
        grid=(NZSTEP,),
        in_specs=[
            pl.BlockSpec((M, 1), lambda t: (0, 0)),
            pl.BlockSpec((1, M), lambda t: (0, 0)),
            pl.BlockSpec((ZBLK, E_DIM), lambda t: (t, 0)),
        ],
        out_specs=[
            pl.BlockSpec((M, 1), lambda t: (0, 0)),
            pl.BlockSpec((M, NSP), lambda t: (0, 0)),
            pl.BlockSpec((M, NSP), lambda t: (0, 0)),
            pl.BlockSpec((M, E_DIM), lambda t: (0, 0)),
        ],
        out_shape=[
            jax.ShapeDtypeStruct((M, 1), jnp.int32),
            jax.ShapeDtypeStruct((M, NSP), jnp.int32),
            jax.ShapeDtypeStruct((M, NSP), jnp.int32),
            jax.ShapeDtypeStruct((M, E_DIM), jnp.float32),
        ],
        scratch_shapes=[pltpu.VMEM((M, E_DIM), jnp.float32)],
        compiler_params=pltpu.CompilerParams(
            dimension_semantics=("arbitrary",),
        ),
    )(idx_col, idx_row, emb)


_NC = 2
_NS = 16
_NW = _NC * _NS
_TPW = M // _NW
_CW = 2 * NSP
_NCHK = 512 // _NW


def _sc_body(dstp_hbm, srcp_hbm, structp_hbm, bankp_ref,
             dst_v, src_v, buf0, buf1, gs0, gs1, ss0, ss1):
    wid = lax.axis_index("s") * _NC + lax.axis_index("c")
    base = wid * _NCHK
    pltpu.sync_copy(dstp_hbm.at[pl.ds(base, _NCHK)], dst_v)
    pltpu.sync_copy(srcp_hbm.at[pl.ds(base, _NCHK)], src_v)
    bufs = (buf0, buf1)
    gsems = (gs0, gs1)
    ssems = (ss0, ss1)
    pltpu.async_copy(structp_hbm.at[src_v.at[0]], buf0, gs0)
    pltpu.async_copy(structp_hbm.at[src_v.at[1]], buf1, gs1)
    for j in range(_NCHK):
        b = j % 2
        pltpu.make_async_copy(structp_hbm.at[src_v.at[j]], bufs[b],
                              gsems[b]).wait()
        pltpu.async_copy(bufs[b], bankp_ref.at[dst_v.at[j]], ssems[b])
        if j + 2 < _NCHK:
            pltpu.make_async_copy(bufs[b], bankp_ref.at[dst_v.at[j]],
                                  ssems[b]).wait()
            pltpu.async_copy(structp_hbm.at[src_v.at[j + 2]], bufs[b],
                             gsems[b])
    for b in range(2):
        pltpu.make_async_copy(bufs[b], bankp_ref.at[dst_v.at[b]],
                              ssems[b]).wait()


def _make_sc_kernel():
    mesh = plsc.VectorSubcoreMesh(core_axis_name="c", subcore_axis_name="s")
    return pl.kernel(
        _sc_body,
        out_type=(),
        mesh=mesh,
        scratch_types=[
            pltpu.VMEM((_NCHK, _CW), jnp.int32),
            pltpu.VMEM((_NCHK, _CW), jnp.int32),
            pltpu.VMEM((_CW, 128), jnp.float32),
            pltpu.VMEM((_CW, 128), jnp.float32),
            pltpu.SemaphoreType.DMA,
            pltpu.SemaphoreType.DMA,
            pltpu.SemaphoreType.DMA,
            pltpu.SemaphoreType.DMA,
        ],
    )


def kernel(z, structures, embedding_weight, structure_bank):
    zf = z.reshape(-1, E_DIM)

    idx_row, _val, loss11 = _tc_argmin(zf, embedding_weight)
    _src_col, dstp, srcp, zq = _tc_dedup_zq(idx_row.reshape(M, 1), idx_row,
                                            embedding_weight)

    dstp2 = dstp.reshape(M // 2, _CW)
    srcp2 = srcp.reshape(M // 2, _CW)
    structp = structures.transpose(2, 3, 0, 1).reshape(NSP * M, 128)
    bankp = structure_bank.transpose(2, 3, 0, 1).reshape(NSP * N_E, 128)

    bank_ref = jax.new_ref(bankp, memory_space=pltpu.HBM)
    _make_sc_kernel()(dstp2, srcp2, structp, bank_ref)
    new_bank = (jax.freeze(bank_ref)
                .reshape(S7, S7, N_E, 128)
                .transpose(2, 3, 0, 1))

    loss = loss11[0, 0]
    z_q = zq.reshape(z.shape)
    return (loss, z_q, new_bank)

# --- scband reference (transcript-rebuilt; emitter-appended) ---
"""Pipeline reference for scband-vector-quantizer-55379308315292 (READ-ONLY COPY).

The authoritative reference and input builder live on the scoring server;
editing this copy changes nothing except your own understanding.
"""

import jax, jax.numpy as jnp
import numpy as np

N_E = 8192
E_DIM_EFF = 320  # e_dim(32) * mul_num(10)
BETA = 0.25
S = 7  # 224 // 2**5


def setup_inputs(seed: int = 0) -> dict:
    key = jax.random.key(seed)
    k1, k2, k3, k4 = jax.random.split(key, 4)
    z = jax.random.normal(k1, (16, 320, 8, 8), dtype=jnp.float32)
    structures = jax.random.normal(k2, (1024, 128, S, S), dtype=jnp.float32)
    embedding_weight = jax.random.uniform(
        k3, (N_E, E_DIM_EFF), minval=-1.0 / N_E, maxval=1.0 / N_E, dtype=jnp.float32
    )
    structure_bank = jax.random.normal(k4, (N_E, 128, S, S), dtype=jnp.float32)
    return {
        "z": z,
        "structures": structures,
        "embedding_weight": embedding_weight,
        "structure_bank": structure_bank,
    }


def reference(z, structures, embedding_weight, structure_bank):
    n_e, e_dim = embedding_weight.shape
    # flatten input to (B*H*W_equiv, e_dim)
    z_flattened = z.reshape(-1, e_dim)
    # squared L2 distances to all codebook entries
    d = (
        jnp.sum(z_flattened ** 2, axis=1, keepdims=True)
        + jnp.sum(embedding_weight ** 2, axis=1)
        - 2.0 * jnp.matmul(z_flattened, embedding_weight.T)
    )
    min_encoding_indices = jnp.argmin(d, axis=1)
    # one-hot encodings (torch scatter_ onto zeros)
    min_encodings = jax.nn.one_hot(min_encoding_indices, n_e, dtype=jnp.float32)
    # buffer mutation: structure_bank[idx] = structures.detach()
    new_structure_bank = structure_bank.at[min_encoding_indices].set(
        jax.lax.stop_gradient(structures)
    )
    # quantized latent via one-hot matmul (equivalent to gather of codebook rows)
    z_q = jnp.matmul(min_encodings, embedding_weight).reshape(z.shape)
    # commitment + codebook loss
    loss = jnp.mean((jax.lax.stop_gradient(z_q) - z) ** 2) + BETA * jnp.mean(
        (z_q - jax.lax.stop_gradient(z)) ** 2
    )
    # straight-through estimator
    z_q = z + jax.lax.stop_gradient(z_q - z)
    # perplexity (computed in torch forward, not returned)
    e_mean = jnp.mean(min_encodings, axis=0)
    perplexity = jnp.exp(-jnp.sum(e_mean * jnp.log(e_mean + 1e-10)))
    del perplexity
    return (loss, z_q, new_structure_bank)

if __name__ == "__main__":
    import jax
    _d = setup_inputs()
    print(jax.jit(kernel)(*tuple(_d.values())))

</pallas_src>

<mosaic_0001>
#map = affine_map<(d0, d1) -> (0, 0)>
module attributes {stable_mosaic.version = 14 : i64} {
  func.func @new_body(%arg0: i32, %arg1: i32, %arg2: memref<512x98xi32, #tpu.memory_space<hbm>>, %arg3: memref<512x98xi32, #tpu.memory_space<hbm>>, %arg4: memref<50176x128xf32, #tpu.memory_space<hbm>>, %arg5: memref<401408x128xf32, #tpu.memory_space<hbm>>, %arg6: memref<401408x128xf32, #tpu.memory_space<hbm>>, %arg7: memref<16x98xi32, #tpu.memory_space<vmem>>, %arg8: memref<16x98xi32, #tpu.memory_space<vmem>>, %arg9: memref<98x128xf32, #tpu.memory_space<vmem>>, %arg10: memref<98x128xf32, #tpu.memory_space<vmem>>, %arg11: memref<!tpu.dma_semaphore, #tpu.memory_space<semaphore_mem>>, %arg12: memref<!tpu.dma_semaphore, #tpu.memory_space<semaphore_mem>>, %arg13: memref<!tpu.dma_semaphore, #tpu.memory_space<semaphore_mem>>, %arg14: memref<!tpu.dma_semaphore, #tpu.memory_space<semaphore_mem>>) attributes {dimension_semantics = [#tpu.dimension_semantics<core_parallel>, #tpu.dimension_semantics<subcore_parallel>], iteration_bounds = array<i64: 2, 16>, scalar_prefetch = 0 : i64, scratch_operands = 8 : i64, tpu.core_type = #tpu.core_type<sc_vector_subcore>, window_params = [{transform_indices = #map}, {transform_indices = #map}, {transform_indices = #map}, {transform_indices = #map}, {transform_indices = #map}]} {
    %mul3A = arith.constant 2 : i32
    %mul3A_0 = arith.muli %arg1, %mul3A : i32
    %add3A = arith.addi %mul3A_0, %arg0 : i32
    %mul3A_1 = arith.constant 16 : i32
    %mul3A_2 = arith.muli %add3A, %mul3A_1 : i32
    "tpu.region"() ({
      %run_scoped3A = tpu.sem_alloc : memref<!tpu.dma_semaphore, #tpu.memory_space<semaphore_mem>>
      %dma_start3A_449 = arith.constant 0 : i32
      %dma_start3A_450 = tpu.memref_slice %arg2[%mul3A_2, %dma_start3A_449] : memref<512x98xi32, #tpu.memory_space<hbm>> -> memref<16x98xi32, #tpu.memory_space<hbm>>
      %dma_start3A_451 = arith.constant 0 : i32
      %dma_start3A_452 = tpu.memref_slice %arg2[%mul3A_2, %dma_start3A_451] : memref<512x98xi32, #tpu.memory_space<hbm>> -> memref<16x98xi32, #tpu.memory_space<hbm>>
      tpu.enqueue_dma source(%dma_start3A_452 : memref<16x98xi32, #tpu.memory_space<hbm>>) target(%arg7 : memref<16x98xi32, #tpu.memory_space<vmem>>) target_semaphore(%run_scoped3A : memref<!tpu.dma_semaphore, #tpu.memory_space<semaphore_mem>>)
      %dma_wait3A_453 = arith.constant 0 : i32
      %dma_wait3A_454 = tpu.memref_slice %arg2[%mul3A_2, %dma_wait3A_453] : memref<512x98xi32, #tpu.memory_space<hbm>> -> memref<16x98xi32, #tpu.memory_space<hbm>>
      %dma_wait3A_455 = arith.constant 0 : i32
      %dma_wait3A_456 = tpu.memref_slice %arg2[%mul3A_2, %dma_wait3A_455] : memref<512x98xi32, #tpu.memory_space<hbm>> -> memref<16x98xi32, #tpu.memory_space<hbm>>
      tpu.wait_dma2 semaphore(%run_scoped3A : memref<!tpu.dma_semaphore, #tpu.memory_space<semaphore_mem>>) src(%dma_wait3A_456 : memref<16x98xi32, #tpu.memory_space<hbm>>) dst(%arg7 : memref<16x98xi32, #tpu.memory_space<vmem>>)
      tpu.yield
    }) : () -> ()
    "tpu.region"() ({
      %run_scoped3A = tpu.sem_alloc : memref<!tpu.dma_semaphore, #tpu.memory_space<semaphore_mem>>
      %dma_start3A_449 = arith.constant 0 : i32
      %dma_start3A_450 = tpu.memref_slice %arg3[%mul3A_2, %dma_start3A_449] : memref<512x98xi32, #tpu.memory_space<hbm>> -> memref<16x98xi32, #tpu.memory_space<hbm>>
      %dma_start3A_451 = arith.constant 0 : i32
      %dma_start3A_452 = tpu.memref_slice %arg3[%mul3A_2, %dma_start3A_451] : memref<512x98xi32, #tpu.memory_space<hbm>> -> memref<16x98xi32, #tpu.memory_space<hbm>>
      tpu.enqueue_dma source(%dma_start3A_452 : memref<16x98xi32, #tpu.memory_space<hbm>>) target(%arg8 : memref<16x98xi32, #tpu.memory_space<vmem>>) target_semaphore(%run_scoped3A : memref<!tpu.dma_semaphore, #tpu.memory_space<semaphore_mem>>)
      %dma_wait3A_453 = arith.constant 0 : i32
      %dma_wait3A_454 = tpu.memref_slice %arg3[%mul3A_2, %dma_wait3A_453] : memref<512x98xi32, #tpu.memory_space<hbm>> -> memref<16x98xi32, #tpu.memory_space<hbm>>
      %dma_wait3A_455 = arith.constant 0 : i32
      %dma_wait3A_456 = tpu.memref_slice %arg3[%mul3A_2, %dma_wait3A_455] : memref<512x98xi32, #tpu.memory_space<hbm>> -> memref<16x98xi32, #tpu.memory_space<hbm>>
      tpu.wait_dma2 semaphore(%run_scoped3A : memref<!tpu.dma_semaphore, #tpu.memory_space<semaphore_mem>>) src(%dma_wait3A_456 : memref<16x98xi32, #tpu.memory_space<hbm>>) dst(%arg8 : memref<16x98xi32, #tpu.memory_space<vmem>>)
      tpu.yield
    }) : () -> ()
    %dma_start3A = arith.constant 0 : i32
    %dma_start3A_3 = arith.constant 0 : i32
    %dma_start3A_4 = tpu.memref_slice %arg8[%dma_start3A, %dma_start3A_3] : memref<16x98xi32, #tpu.memory_space<vmem>> -> memref<1x98xi32, #tpu.memory_space<vmem>>
    %dma_start3A_5 = tpu.memref_squeeze %dma_start3A_4 : memref<1x98xi32, #tpu.memory_space<vmem>> -> memref<98xi32, #tpu.memory_space<vmem>>
    %dma_start3A_6 = arith.constant 0 : i32
    %dma_start3A_7 = arith.constant 0 : i32
    %dma_start3A_8 = tpu.memref_slice %arg4[%dma_start3A_6, %dma_start3A_7] : memref<50176x128xf32, #tpu.memory_space<hbm>> -> memref<50176x128xf32, #tpu.memory_space<hbm>>
    tpu.enqueue_indirect_dma source(%dma_start3A_8 : memref<50176x128xf32, #tpu.memory_space<hbm>>) target(%arg9 : memref<98x128xf32, #tpu.memory_space<vmem>>) offsets(%dma_start3A_5 : memref<98xi32, #tpu.memory_space<vmem>>) semaphore(%arg11 : memref<!tpu.dma_semaphore, #tpu.memory_space<semaphore_mem>>)
    %dma_start3A_9 = arith.constant 1 : i32
    %dma_start3A_10 = arith.constant 0 : i32
    %dma_start3A_11 = tpu.memref_slice %arg8[%dma_start3A_9, %dma_start3A_10] : memref<16x98xi32, #tpu.memory_space<vmem>> -> memref<1x98xi32, #tpu.memory_space<vmem>>
    %dma_start3A_12 = tpu.memref_squeeze %dma_start3A_11 : memref<1x98xi32, #tpu.memory_space<vmem>> -> memref<98xi32, #tpu.memory_space<vmem>>
    %dma_start3A_13 = arith.constant 0 : i32
    %dma_start3A_14 = arith.constant 0 : i32
    %dma_start3A_15 = tpu.memref_slice %arg4[%dma_start3A_13, %dma_start3A_14] : memref<50176x128xf32, #tpu.memory_space<hbm>> -> memref<50176x128xf32, #tpu.memory_space<hbm>>
    tpu.enqueue_indirect_dma source(%dma_start3A_15 : memref<50176x128xf32, #tpu.memory_space<hbm>>) target(%arg10 : memref<98x128xf32, #tpu.memory_space<vmem>>) offsets(%dma_start3A_12 : memref<98xi32, #tpu.memory_space<vmem>>) semaphore(%arg12 : memref<!tpu.dma_semaphore, #tpu.memory_space<semaphore_mem>>)
    %dma_wait3A = arith.constant 0 : i32
    %dma_wait3A_16 = arith.constant 0 : i32
    %dma_wait3A_17 = tpu.memref_slice %arg8[%dma_wait3A, %dma_wait3A_16] : memref<16x98xi32, #tpu.memory_space<vmem>> -> memref<1x98xi32, #tpu.memory_space<vmem>>
    %dma_wait3A_18 = tpu.memref_squeeze %dma_wait3A_17 : memref<1x98xi32, #tpu.memory_space<vmem>> -> memref<98xi32, #tpu.memory_space<vmem>>
    %dma_wait3A_19 = arith.constant 0 : i32
    %dma_wait3A_20 = arith.constant 0 : i32
    %dma_wait3A_21 = tpu.memref_slice %arg4[%dma_wait3A_19, %dma_wait3A_20] : memref<50176x128xf32, #tpu.memory_space<hbm>> -> memref<50176x128xf32, #tpu.memory_space<hbm>>
    tpu.wait_indirect_dma semaphore(%arg11 : memref<!tpu.dma_semaphore, #tpu.memory_space<semaphore_mem>>) src(%dma_wait3A_21 : memref<50176x128xf32, #tpu.memory_space<hbm>>) dst(%arg9 : memref<98x128xf32, #tpu.memory_space<vmem>>)
    %dma_start3A_22 = arith.constant 0 : i32
    %dma_start3A_23 = arith.constant 0 : i32
    %dma_start3A_24 = tpu.memref_slice %arg7[%dma_start3A_22, %dma_start3A_23] : memref<16x98xi32, #tpu.memory_space<vmem>> -> memref<1x98xi32, #tpu.memory_space<vmem>>
    %dma_start3A_25 = tpu.memref_squeeze %dma_start3A_24 : memref<1x98xi32, #tpu.memory_space<vmem>> -> memref<98xi32, #tpu.memory_space<vmem>>
    %dma_start3A_26 = arith.constant 0 : i32
    %dma_start3A_27 = arith.constant 0 : i32
    %dma_start3A_28 = tpu.memref_slice %arg5[%dma_start3A_26, %dma_start3A_27] : memref<401408x128xf32, #tpu.memory_space<hbm>> -> memref<401408x128xf32, #tpu.memory_space<hbm>>
    tpu.enqueue_indirect_dma source(%arg9 : memref<98x128xf32, #tpu.memory_space<vmem>>) target(%dma_start3A_28 : memref<401408x128xf32, #tpu.memory_space<hbm>>) offsets(%dma_start3A_25 : memref<98xi32, #tpu.memory_space<vmem>>) semaphore(%arg13 : memref<!tpu.dma_semaphore, #tpu.memory_space<semaphore_mem>>)
    %dma_wait3A_29 = arith.constant 0 : i32
    %dma_wait3A_30 = arith.constant 0 : i32
    %dma_wait3A_31 = tpu.memref_slice %arg7[%dma_wait3A_29, %dma_wait3A_30] : memref<16x98xi32, #tpu.memory_space<vmem>> -> memref<1x98xi32, #tpu.memory_space<vmem>>
    %dma_wait3A_32 = tpu.memref_squeeze %dma_wait3A_31 : memref<1x98xi32, #tpu.memory_space<vmem>> -> memref<98xi32, #tpu.memory_space<vmem>>
    %dma_wait3A_33 = arith.constant 0 : i32
    %dma_wait3A_34 = arith.constant 0 : i32
    %dma_wait3A_35 = tpu.memref_slice %arg5[%dma_wait3A_33, %dma_wait3A_34] : memref<401408x128xf32, #tpu.memory_space<hbm>> -> memref<401408x128xf32, #tpu.memory_space<hbm>>
    tpu.wait_indirect_dma semaphore(%arg13 : memref<!tpu.dma_semaphore, #tpu.memory_space<semaphore_mem>>) src(%arg9 : memref<98x128xf32, #tpu.memory_space<vmem>>) dst(%dma_wait3A_35 : memref<401408x128xf32, #tpu.memory_space<hbm>>)
    %dma_start3A_36 = arith.constant 2 : i32
    %dma_start3A_37 = arith.constant 0 : i32
    %dma_start3A_38 = tpu.memref_slice %arg8[%dma_start3A_36, %dma_start3A_37] : memref<16x98xi32, #tpu.memory_space<vmem>> -> memref<1x98xi32, #tpu.memory_space<vmem>>
    %dma_start3A_39 = tpu.memref_squeeze %dma_start3A_38 : memref<1x98xi32, #tpu.memory_space<vmem>> -> memref<98xi32, #tpu.memory_space<vmem>>
    %dma_start3A_40 = arith.constant 0 : i32
    %dma_start3A_41 = arith.constant 0 : i32
    %dma_start3A_42 = tpu.memref_slice %arg4[%dma_start3A_40, %dma_start3A_41] : memref<50176x128xf32, #tpu.memory_space<hbm>> -> memref<50176x128xf32, #tpu.memory_space<hbm>>
    tpu.enqueue_indirect_dma source(%dma_start3A_42 : memref<50176x128xf32, #tpu.memory_space<hbm>>) target(%arg9 : memref<98x128xf32, #tpu.memory_space<vmem>>) offsets(%dma_start3A_39 : memref<98xi32, #tpu.memory_space<vmem>>) semaphore(%arg11 : memref<!tpu.dma_semaphore, #tpu.memory_space<semaphore_mem>>)
    %dma_wait3A_43 = arith.constant 1 : i32
    %dma_wait3A_44 = arith.constant 0 : i32
    %dma_wait3A_45 = tpu.memref_slice %arg8[%dma_wait3A_43, %dma_wait3A_44] : memref<16x98xi32, #tpu.memory_space<vmem>> -> memref<1x98xi32, #tpu.memory_space<vmem>>
    %dma_wait3A_46 = tpu.memref_squeeze %dma_wait3A_45 : memref<1x98xi32, #tpu.memory_space<vmem>> -> memref<98xi32, #tpu.memory_space<vmem>>
    %dma_wait3A_47 = arith.constant 0 : i32
    %dma_wait3A_48 = arith.constant 0 : i32
    %dma_wait3A_49 = tpu.memref_slice %arg4[%dma_wait3A_47, %dma_wait3A_48] : memref<50176x128xf32, #tpu.memory_space<hbm>> -> memref<50176x128xf32, #tpu.memory_space<hbm>>
    tpu.wait_indirect_dma semaphore(%arg12 : memref<!tpu.dma_semaphore, #tpu.memory_space<semaphore_mem>>) src(%dma_wait3A_49 : memref<50176x128xf32, #tpu.memory_space<hbm>>) dst(%arg10 : memref<98x128xf32, #tpu.memory_space<vmem>>)
    %dma_start3A_50 = arith.constant 1 : i32
    %dma_start3A_51 = arith.constant 0 : i32
    %dma_start3A_52 = tpu.memref_slice %arg7[%dma_start3A_50, %dma_start3A_51] : memref<16x98xi32, #tpu.memory_space<vmem>> -> memref<1x98xi32, #tpu.memory_space<vmem>>
    %dma_start3A_53 = tpu.memref_squeeze %dma_start3A_52 : memref<1x98xi32, #tpu.memory_space<vmem>> -> memref<98xi32, #tpu.memory_space<vmem>>
    %dma_start3A_54 = arith.constant 0 : i32
    %dma_start3A_55 = arith.constant 0 : i32
    %dma_start3A_56 = tpu.memref_slice %arg5[%dma_start3A_54, %dma_start3A_55] : memref<401408x128xf32, #tpu.memory_space<hbm>> -> memref<401408x128xf32, #tpu.memory_space<hbm>>
    tpu.enqueue_indirect_dma source(%arg10 : memref<98x128xf32, #tpu.memory_space<vmem>>) target(%dma_start3A_56 : memref<401408x128xf32, #tpu.memory_space<hbm>>) offsets(%dma_start3A_53 : memref<98xi32, #tpu.memory_space<vmem>>) semaphore(%arg14 : memref<!tpu.dma_semaphore, #tpu.memory_space<semaphore_mem>>)
    %dma_wait3A_57 = arith.constant 1 : i32
    %dma_wait3A_58 = arith.constant 0 : i32
    %dma_wait3A_59 = tpu.memref_slice %arg7[%dma_wait3A_57, %dma_wait3A_58] : memref<16x98xi32, #tpu.memory_space<vmem>> -> memref<1x98xi32, #tpu.memory_space<vmem>>
    %dma_wait3A_60 = tpu.memref_squeeze %dma_wait3A_59 : memref<1x98xi32, #tpu.memory_space<vmem>> -> memref<98xi32, #tpu.memory_space<vmem>>
    %dma_wait3A_61 = arith.constant 0 : i32
    %dma_wait3A_62 = arith.constant 0 : i32
    %dma_wait3A_63 = tpu.memref_slice %arg5[%dma_wait3A_61, %dma_wait3A_62] : memref<401408x128xf32, #tpu.memory_space<hbm>> -> memref<401408x128xf32, #tpu.memory_space<hbm>>
    tpu.wait_indirect_dma semaphore(%arg14 : memref<!tpu.dma_semaphore, #tpu.memory_space<semaphore_mem>>) src(%arg10 : memref<98x128xf32, #tpu.memory_space<vmem>>) dst(%dma_wait3A_63 : memref<401408x128xf32, #tpu.memory_space<hbm>>)
    %dma_start3A_64 = arith.constant 3 : i32
    %dma_start3A_65 = arith.constant 0 : i32
    %dma_start3A_66 = tpu.memref_slice %arg8[%dma_start3A_64, %dma_start3A_65] : memref<16x98xi32, #tpu.memory_space<vmem>> -> memref<1x98xi32, #tpu.memory_space<vmem>>
    %dma_start3A_67 = tpu.memref_squeeze %dma_start3A_66 : memref<1x98xi32, #tpu.memory_space<vmem>> -> memref<98xi32, #tpu.memory_space<vmem>>
    %dma_start3A_68 = arith.constant 0 : i32
    %dma_start3A_69 = arith.constant 0 : i32
    %dma_start3A_70 = tpu.memref_slice %arg4[%dma_start3A_68, %dma_start3A_69] : memref<50176x128xf32, #tpu.memory_space<hbm>> -> memref<50176x128xf32, #tpu.memory_space<hbm>>
    tpu.enqueue_indirect_dma source(%dma_start3A_70 : memref<50176x128xf32, #tpu.memory_space<hbm>>) target(%arg10 : memref<98x128xf32, #tpu.memory_space<vmem>>) offsets(%dma_start3A_67 : memref<98xi32, #tpu.memory_space<vmem>>) semaphore(%arg12 : memref<!tpu.dma_semaphore, #tpu.memory_space<semaphore_mem>>)
    %dma_wait3A_71 = arith.constant 2 : i32
    %dma_wait3A_72 = arith.constant 0 : i32
    %dma_wait3A_73 = tpu.memref_slice %arg8[%dma_wait3A_71, %dma_wait3A_72] : memref<16x98xi32, #tpu.memory_space<vmem>> -> memref<1x98xi32, #tpu.memory_space<vmem>>
    %dma_wait3A_74 = tpu.memref_squeeze %dma_wait3A_73 : memref<1x98xi32, #tpu.memory_space<vmem>> -> memref<98xi32, #tpu.memory_space<vmem>>
    %dma_wait3A_75 = arith.constant 0 : i32
    %dma_wait3A_76 = arith.constant 0 : i32
    %dma_wait3A_77 = tpu.memref_slice %arg4[%dma_wait3A_75, %dma_wait3A_76] : memref<50176x128xf32, #tpu.memory_space<hbm>> -> memref<50176x128xf32, #tpu.memory_space<hbm>>
    tpu.wait_indirect_dma semaphore(%arg11 : memref<!tpu.dma_semaphore, #tpu.memory_space<semaphore_mem>>) src(%dma_wait3A_77 : memref<50176x128xf32, #tpu.memory_space<hbm>>) dst(%arg9 : memref<98x128xf32, #tpu.memory_space<vmem>>)
    %dma_start3A_78 = arith.constant 2 : i32
    %dma_start3A_79 = arith.constant 0 : i32
    %dma_start3A_80 = tpu.memref_slice %arg7[%dma_start3A_78, %dma_start3A_79] : memref<16x98xi32, #tpu.memory_space<vmem>> -> memref<1x98xi32, #tpu.memory_space<vmem>>
    %dma_start3A_81 = tpu.memref_squeeze %dma_start3A_80 : memref<1x98xi32, #tpu.memory_space<vmem>> -> memref<98xi32, #tpu.memory_space<vmem>>
    %dma_start3A_82 = arith.constant 0 : i32
    %dma_start3A_83 = arith.constant 0 : i32
    %dma_start3A_84 = tpu.memref_slice %arg5[%dma_start3A_82, %dma_start3A_83] : memref<401408x128xf32, #tpu.memory_space<hbm>> -> memref<401408x128xf32, #tpu.memory_space<hbm>>
    tpu.enqueue_indirect_dma source(%arg9 : memref<98x128xf32, #tpu.memory_space<vmem>>) target(%dma_start3A_84 : memref<401408x128xf32, #tpu.memory_space<hbm>>) offsets(%dma_start3A_81 : memref<98xi32, #tpu.memory_space<vmem>>) semaphore(%arg13 : memref<!tpu.dma_semaphore, #tpu.memory_space<semaphore_mem>>)
    %dma_wait3A_85 = arith.constant 2 : i32
    %dma_wait3A_86 = arith.constant 0 : i32
    %dma_wait3A_87 = tpu.memref_slice %arg7[%dma_wait3A_85, %dma_wait3A_86] : memref<16x98xi32, #tpu.memory_space<vmem>> -> memref<1x98xi32, #tpu.memory_space<vmem>>
    %dma_wait3A_88 = tpu.memref_squeeze %dma_wait3A_87 : memref<1x98xi32, #tpu.memory_space<vmem>> -> memref<98xi32, #tpu.memory_space<vmem>>
    %dma_wait3A_89 = arith.constant 0 : i32
    %dma_wait3A_90 = arith.constant 0 : i32
    %dma_wait3A_91 = tpu.memref_slice %arg5[%dma_wait3A_89, %dma_wait3A_90] : memref<401408x128xf32, #tpu.memory_space<hbm>> -> memref<401408x128xf32, #tpu.memory_space<hbm>>
    tpu.wait_indirect_dma semaphore(%arg13 : memref<!tpu.dma_semaphore, #tpu.memory_space<semaphore_mem>>) src(%arg9 : memref<98x128xf32, #tpu.memory_space<vmem>>) dst(%dma_wait3A_91 : memref<401408x128xf32, #tpu.memory_space<hbm>>)
    %dma_start3A_92 = arith.constant 4 : i32
    %dma_start3A_93 = arith.constant 0 : i32
    %dma_start3A_94 = tpu.memref_slice %arg8[%dma_start3A_92, %dma_start3A_93] : memref<16x98xi32, #tpu.memory_space<vmem>> -> memref<1x98xi32, #tpu.memory_space<vmem>>
    %dma_start3A_95 = tpu.memref_squeeze %dma_start3A_94 : memref<1x98xi32, #tpu.memory_space<vmem>> -> memref<98xi32, #tpu.memory_space<vmem>>
    %dma_start3A_96 = arith.constant 0 : i32
    %dma_start3A_97 = arith.constant 0 : i32
    %dma_start3A_98 = tpu.memref_slice %arg4[%dma_start3A_96, %dma_start3A_97] : memref<50176x128xf32, #tpu.memory_space<hbm>> -> memref<50176x128xf32, #tpu.memory_space<hbm>>
    tpu.enqueue_indirect_dma source(%dma_start3A_98 : memref<50176x128xf32, #tpu.memory_space<hbm>>) target(%arg9 : memref<98x128xf32, #tpu.memory_space<vmem>>) offsets(%dma_start3A_95 : memref<98xi32, #tpu.memory_space<vmem>>) semaphore(%arg11 : memref<!tpu.dma_semaphore, #tpu.memory_space<semaphore_mem>>)
    %dma_wait3A_99 = arith.constant 3 : i32
    %dma_wait3A_100 = arith.constant 0 : i32
    %dma_wait3A_101 = tpu.memref_slice %arg8[%dma_wait3A_99, %dma_wait3A_100] : memref<16x98xi32, #tpu.memory_space<vmem>> -> memref<1x98xi32, #tpu.memory_space<vmem>>
    %dma_wait3A_102 = tpu.memref_squeeze %dma_wait3A_101 : memref<1x98xi32, #tpu.memory_space<vmem>> -> memref<98xi32, #tpu.memory_space<vmem>>
    %dma_wait3A_103 = arith.constant 0 : i32
    %dma_wait3A_104 = arith.constant 0 : i32
    %dma_wait3A_105 = tpu.memref_slice %arg4[%dma_wait3A_103, %dma_wait3A_104] : memref<50176x128xf32, #tpu.memory_space<hbm>> -> memref<50176x128xf32, #tpu.memory_space<hbm>>
    tpu.wait_indirect_dma semaphore(%arg12 : memref<!tpu.dma_semaphore, #tpu.memory_space<semaphore_mem>>) src(%dma_wait3A_105 : memref<50176x128xf32, #tpu.memory_space<hbm>>) dst(%arg10 : memref<98x128xf32, #tpu.memory_space<vmem>>)
    %dma_start3A_106 = arith.constant 3 : i32
    %dma_start3A_107 = arith.constant 0 : i32
    %dma_start3A_108 = tpu.memref_slice %arg7[%dma_start3A_106, %dma_start3A_107] : memref<16x98xi32, #tpu.memory_space<vmem>> -> memref<1x98xi32, #tpu.memory_space<vmem>>
    %dma_start3A_109 = tpu.memref_squeeze %dma_start3A_108 : memref<1x98xi32, #tpu.memory_space<vmem>> -> memref<98xi32, #tpu.memory_space<vmem>>
    %dma_start3A_110 = arith.constant 0 : i32
    %dma_start3A_111 = arith.constant 0 : i32
    %dma_start3A_112 = tpu.memref_slice %arg5[%dma_start3A_110, %dma_start3A_111] : memref<401408x128xf32, #tpu.memory_space<hbm>> -> memref<401408x128xf32, #tpu.memory_space<hbm>>
    tpu.enqueue_indirect_dma source(%arg10 : memref<98x128xf32, #tpu.memory_space<vmem>>) target(%dma_start3A_112 : memref<401408x128xf32, #tpu.memory_space<hbm>>) offsets(%dma_start3A_109 : memref<98xi32, #tpu.memory_space<vmem>>) semaphore(%arg14 : memref<!tpu.dma_semaphore, #tpu.memory_space<semaphore_mem>>)
    %dma_wait3A_113 = arith.constant 3 : i32
    %dma_wait3A_114 = arith.constant 0 : i32
    %dma_wait3A_115 = tpu.memref_slice %arg7[%dma_wait3A_113, %dma_wait3A_114] : memref<16x98xi32, #tpu.memory_space<vmem>> -> memref<1x98xi32, #tpu.memory_space<vmem>>
    %dma_wait3A_116 = tpu.memref_squeeze %dma_wait3A_115 : memref<1x98xi32, #tpu.memory_space<vmem>> -> memref<98xi32, #tpu.memory_space<vmem>>
    %dma_wait3A_117 = arith.constant 0 : i32
    %dma_wait3A_118 = arith.constant 0 : i32
    %dma_wait3A_119 = tpu.memref_slice %arg5[%dma_wait3A_117, %dma_wait3A_118] : memref<401408x128xf32, #tpu.memory_space<hbm>> -> memref<401408x128xf32, #tpu.memory_space<hbm>>
    tpu.wait_indirect_dma semaphore(%arg14 : memref<!tpu.dma_semaphore, #tpu.memory_space<semaphore_mem>>) src(%arg10 : memref<98x128xf32, #tpu.memory_space<vmem>>) dst(%dma_wait3A_119 : memref<401408x128xf32, #tpu.memory_space<hbm>>)
    %dma_start3A_120 = arith.constant 5 : i32
    %dma_start3A_121 = arith.constant 0 : i32
    %dma_start3A_122 = tpu.memref_slice %arg8[%dma_start3A_120, %dma_start3A_121] : memref<16x98xi32, #tpu.memory_space<vmem>> -> memref<1x98xi32, #tpu.memory_space<vmem>>
    %dma_start3A_123 = tpu.memref_squeeze %dma_start3A_122 : memref<1x98xi32, #tpu.memory_space<vmem>> -> memref<98xi32, #tpu.memory_space<vmem>>
    %dma_start3A_124 = arith.constant 0 : i32
    %dma_start3A_125 = arith.constant 0 : i32
    %dma_start3A_126 = tpu.memref_slice %arg4[%dma_start3A_124, %dma_start3A_125] : memref<50176x128xf32, #tpu.memory_space<hbm>> -> memref<50176x128xf32, #tpu.memory_space<hbm>>
    tpu.enqueue_indirect_dma source(%dma_start3A_126 : memref<50176x128xf32, #tpu.memory_space<hbm>>) target(%arg10 : memref<98x128xf32, #tpu.memory_space<vmem>>) offsets(%dma_start3A_123 : memref<98xi32, #tpu.memory_space<vmem>>) semaphore(%arg12 : memref<!tpu.dma_semaphore, #tpu.memory_space<semaphore_mem>>)
    %dma_wait3A_127 = arith.constant 4 : i32
    %dma_wait3A_128 = arith.constant 0 : i32
    %dma_wait3A_129 = tpu.memref_slice %arg8[%dma_wait3A_127, %dma_wait3A_128] : memref<16x98xi32, #tpu.memory_space<vmem>> -> memref<1x98xi32, #tpu.memory_space<vmem>>
    %dma_wait3A_130 = tpu.memref_squeeze %dma_wait3A_129 : memref<1x98xi32, #tpu.memory_space<vmem>> -> memref<98xi32, #tpu.memory_space<vmem>>
    %dma_wait3A_131 = arith.constant 0 : i32
    %dma_wait3A_132 = arith.constant 0 : i32
    %dma_wait3A_133 = tpu.memref_slice %arg4[%dma_wait3A_131, %dma_wait3A_132] : memref<50176x128xf32, #tpu.memory_space<hbm>> -> memref<50176x128xf32, #tpu.memory_space<hbm>>
    tpu.wait_indirect_dma semaphore(%arg11 : memref<!tpu.dma_semaphore, #tpu.memory_space<semaphore_mem>>) src(%dma_wait3A_133 : memref<50176x128xf32, #tpu.memory_space<hbm>>) dst(%arg9 : memref<98x128xf32, #tpu.memory_space<vmem>>)
    %dma_start3A_134 = arith.constant 4 : i32
    %dma_start3A_135 = arith.constant 0 : i32
    %dma_start3A_136 = tpu.memref_slice %arg7[%dma_start3A_134, %dma_start3A_135] : memref<16x98xi32, #tpu.memory_space<vmem>> -> memref<1x98xi32, #tpu.memory_space<vmem>>
    %dma_start3A_137 = tpu.memref_squeeze %dma_start3A_136 : memref<1x98xi32, #tpu.memory_space<vmem>> -> memref<98xi32, #tpu.memory_space<vmem>>
    %dma_start3A_138 = arith.constant 0 : i32
    %dma_start3A_139 = arith.constant 0 : i32
    %dma_start3A_140 = tpu.memref_slice %arg5[%dma_start3A_138, %dma_start3A_139] : memref<401408x128xf32, #tpu.memory_space<hbm>> -> memref<401408x128xf32, #tpu.memory_space<hbm>>
    tpu.enqueue_indirect_dma source(%arg9 : memref<98x128xf32, #tpu.memory_space<vmem>>) target(%dma_start3A_140 : memref<401408x128xf32, #tpu.memory_space<hbm>>) offsets(%dma_start3A_137 : memref<98xi32, #tpu.memory_space<vmem>>) semaphore(%arg13 : memref<!tpu.dma_semaphore, #tpu.memory_space<semaphore_mem>>)
    %dma_wait3A_141 = arith.constant 4 : i32
    %dma_wait3A_142 = arith.constant 0 : i32
    %dma_wait3A_143 = tpu.memref_slice %arg7[%dma_wait3A_141, %dma_wait3A_142] : memref<16x98xi32, #tpu.memory_space<vmem>> -> memref<1x98xi32, #tpu.memory_space<vmem>>
    %dma_wait3A_144 = tpu.memref_squeeze %dma_wait3A_143 : memref<1x98xi32, #tpu.memory_space<vmem>> -> memref<98xi32, #tpu.memory_space<vmem>>
    %dma_wait3A_145 = arith.constant 0 : i32
    %dma_wait3A_146 = arith.constant 0 : i32
    %dma_wait3A_147 = tpu.memref_slice %arg5[%dma_wait3A_145, %dma_wait3A_146] : memref<401408x128xf32, #tpu.memory_space<hbm>> -> memref<401408x128xf32, #tpu.memory_space<hbm>>
    tpu.wait_indirect_dma semaphore(%arg13 : memref<!tpu.dma_semaphore, #tpu.memory_space<semaphore_mem>>) src(%arg9 : memref<98x128xf32, #tpu.memory_space<vmem>>) dst(%dma_wait3A_147 : memref<401408x128xf32, #tpu.memory_space<hbm>>)
    %dma_start3A_148 = arith.constant 6 : i32
    %dma_start3A_149 = arith.constant 0 : i32
    %dma_start3A_150 = tpu.memref_slice %arg8[%dma_start3A_148, %dma_start3A_149] : memref<16x98xi32, #tpu.memory_space<vmem>> -> memref<1x98xi32, #tpu.memory_space<vmem>>
    %dma_start3A_151 = tpu.memref_squeeze %dma_start3A_150 : memref<1x98xi32, #tpu.memory_space<vmem>> -> memref<98xi32, #tpu.memory_space<vmem>>
    %dma_start3A_152 = arith.constant 0 : i32
    %dma_start3A_153 = arith.constant 0 : i32
    %dma_start3A_154 = tpu.memref_slice %arg4[%dma_start3A_152, %dma_start3A_153] : memref<50176x128xf32, #tpu.memory_space<hbm>> -> memref<50176x128xf32, #tpu.memory_space<hbm>>
    tpu.enqueue_indirect_dma source(%dma_start3A_154 : memref<50176x128xf32, #tpu.memory_space<hbm>>) target(%arg9 : memref<98x128xf32, #tpu.memory_space<vmem>>) offsets(%dma_start3A_151 : memref<98xi32, #tpu.memory_space<vmem>>) semaphore(%arg11 : memref<!tpu.dma_semaphore, #tpu.memory_space<semaphore_mem>>)
    %dma_wait3A_155 = arith.constant 5 : i32
    %dma_wait3A_156 = arith.constant 0 : i32
    %dma_wait3A_157 = tpu.memref_slice %arg8[%dma_wait3A_155, %dma_wait3A_156] : memref<16x98xi32, #tpu.memory_space<vmem>> -> memref<1x98xi32, #tpu.memory_space<vmem>>
    %dma_wait3A_158 = tpu.memref_squeeze %dma_wait3A_157 : memref<1x98xi32, #tpu.memory_space<vmem>> -> memref<98xi32, #tpu.memory_space<vmem>>
    %dma_wait3A_159 = arith.constant 0 : i32
    %dma_wait3A_160 = arith.constant 0 : i32
    %dma_wait3A_161 = tpu.memref_slice %arg4[%dma_wait3A_159, %dma_wait3A_160] : memref<50176x128xf32, #tpu.memory_space<hbm>> -> memref<50176x128xf32, #tpu.memory_space<hbm>>
    tpu.wait_indirect_dma semaphore(%arg12 : memref<!tpu.dma_semaphore, #tpu.memory_space<semaphore_mem>>) src(%dma_wait3A_161 : memref<50176x128xf32, #tpu.memory_space<hbm>>) dst(%arg10 : memref<98x128xf32, #tpu.memory_space<vmem>>)
    %dma_start3A_162 = arith.constant 5 : i32
    %dma_start3A_163 = arith.constant 0 : i32
    %dma_start3A_164 = tpu.memref_slice %arg7[%dma_start3A_162, %dma_start3A_163] : memref<16x98xi32, #tpu.memory_space<vmem>> -> memref<1x98xi32, #tpu.memory_space<vmem>>
    %dma_start3A_165 = tpu.memref_squeeze %dma_start3A_164 : memref<1x98xi32, #tpu.memory_space<vmem>> -> memref<98xi32, #tpu.memory_space<vmem>>
    %dma_start3A_166 = arith.constant 0 : i32
    %dma_start3A_167 = arith.constant 0 : i32
    %dma_start3A_168 = tpu.memref_slice %arg5[%dma_start3A_166, %dma_start3A_167] : memref<401408x128xf32, #tpu.memory_space<hbm>> -> memref<401408x128xf32, #tpu.memory_space<hbm>>
    tpu.enqueue_indirect_dma source(%arg10 : memref<98x128xf32, #tpu.memory_space<vmem>>) target(%dma_start3A_168 : memref<401408x128xf32, #tpu.memory_space<hbm>>) offsets(%dma_start3A_165 : memref<98xi32, #tpu.memory_space<vmem>>) semaphore(%arg14 : memref<!tpu.dma_semaphore, #tpu.memory_space<semaphore_mem>>)
    %dma_wait3A_169 = arith.constant 5 : i32
    %dma_wait3A_170 = arith.constant 0 : i32
    %dma_wait3A_171 = tpu.memref_slice %arg7[%dma_wait3A_169, %dma_wait3A_170] : memref<16x98xi32, #tpu.memory_space<vmem>> -> memref<1x98xi32, #tpu.memory_space<vmem>>
    %dma_wait3A_172 = tpu.memref_squeeze %dma_wait3A_171 : memref<1x98xi32, #tpu.memory_space<vmem>> -> memref<98xi32, #tpu.memory_space<vmem>>
    %dma_wait3A_173 = arith.constant 0 : i32
    %dma_wait3A_174 = arith.constant 0 : i32
    %dma_wait3A_175 = tpu.memref_slice %arg5[%dma_wait3A_173, %dma_wait3A_174] : memref<401408x128xf32, #tpu.memory_space<hbm>> -> memref<401408x128xf32, #tpu.memory_space<hbm>>
    tpu.wait_indirect_dma semaphore(%arg14 : memref<!tpu.dma_semaphore, #tpu.memory_space<semaphore_mem>>) src(%arg10 : memref<98x128xf32, #tpu.memory_space<vmem>>) dst(%dma_wait3A_175 : memref<401408x128xf32, #tpu.memory_space<hbm>>)
    %dma_start3A_176 = arith.constant 7 : i32
    %dma_start3A_177 = arith.constant 0 : i32
    %dma_start3A_178 = tpu.memref_slice %arg8[%dma_start3A_176, %dma_start3A_177] : memref<16x98xi32, #tpu.memory_space<vmem>> -> memref<1x98xi32, #tpu.memory_space<vmem>>
    %dma_start3A_179 = tpu.memref_squeeze %dma_start3A_178 : memref<1x98xi32, #tpu.memory_space<vmem>> -> memref<98xi32, #tpu.memory_space<vmem>>
    %dma_start3A_180 = arith.constant 0 : i32
    %dma_start3A_181 = arith.constant 0 : i32
    %dma_start3A_182 = tpu.memref_slice %arg4[%dma_start3A_180, %dma_start3A_181] : memref<50176x128xf32, #tpu.memory_space<hbm>> -> memref<50176x128xf32, #tpu.memory_space<hbm>>
    tpu.enqueue_indirect_dma source(%dma_start3A_182 : memref<50176x128xf32, #tpu.memory_space<hbm>>) target(%arg10 : memref<98x128xf32, #tpu.memory_space<vmem>>) offsets(%dma_start3A_179 : memref<98xi32, #tpu.memory_space<vmem>>) semaphore(%arg12 : memref<!tpu.dma_semaphore, #tpu.memory_space<semaphore_mem>>)
    %dma_wait3A_183 = arith.constant 6 : i32
    %dma_wait3A_184 = arith.constant 0 : i32
    %dma_wait3A_185 = tpu.memref_slice %arg8[%dma_wait3A_183, %dma_wait3A_184] : memref<16x98xi32, #tpu.memory_space<vmem>> -> memref<1x98xi32, #tpu.memory_space<vmem>>
    %dma_wait3A_186 = tpu.memref_squeeze %dma_wait3A_185 : memref<1x98xi32, #tpu.memory_space<vmem>> -> memref<98xi32, #tpu.memory_space<vmem>>
    %dma_wait3A_187 = arith.constant 0 : i32
    %dma_wait3A_188 = arith.constant 0 : i32
    %dma_wait3A_189 = tpu.memref_slice %arg4[%dma_wait3A_187, %dma_wait3A_188] : memref<50176x128xf32, #tpu.memory_space<hbm>> -> memref<50176x128xf32, #tpu.memory_space<hbm>>
    tpu.wait_indirect_dma semaphore(%arg11 : memref<!tpu.dma_semaphore, #tpu.memory_space<semaphore_mem>>) src(%dma_wait3A_189 : memref<50176x128xf32, #tpu.memory_space<hbm>>) dst(%arg9 : memref<98x128xf32, #tpu.memory_space<vmem>>)
    %dma_start3A_190 = arith.constant 6 : i32
    %dma_start3A_191 = arith.constant 0 : i32
    %dma_start3A_192 = tpu.memref_slice %arg7[%dma_start3A_190, %dma_start3A_191] : memref<16x98xi32, #tpu.memory_space<vmem>> -> memref<1x98xi32, #tpu.memory_space<vmem>>
    %dma_start3A_193 = tpu.memref_squeeze %dma_start3A_192 : memref<1x98xi32, #tpu.memory_space<vmem>> -> memref<98xi32, #tpu.memory_space<vmem>>
    %dma_start3A_194 = arith.constant 0 : i32
    %dma_start3A_195 = arith.constant 0 : i32
    %dma_start3A_196 = tpu.memref_slice %arg5[%dma_start3A_194, %dma_start3A_195] : memref<401408x128xf32, #tpu.memory_space<hbm>> -> memref<401408x128xf32, #tpu.memory_space<hbm>>
    tpu.enqueue_indirect_dma source(%arg9 : memref<98x128xf32, #tpu.memory_space<vmem>>) target(%dma_start3A_196 : memref<401408x128xf32, #tpu.memory_space<hbm>>) offsets(%dma_start3A_193 : memref<98xi32, #tpu.memory_space<vmem>>) semaphore(%arg13 : memref<!tpu.dma_semaphore, #tpu.memory_space<semaphore_mem>>)
    %dma_wait3A_197 = arith.constant 6 : i32
    %dma_wait3A_198 = arith.constant 0 : i32
    %dma_wait3A_199 = tpu.memref_slice %arg7[%dma_wait3A_197, %dma_wait3A_198] : memref<16x98xi32, #tpu.memory_space<vmem>> -> memref<1x98xi32, #tpu.memory_space<vmem>>
    %dma_wait3A_200 = tpu.memref_squeeze %dma_wait3A_199 : memref<1x98xi32, #tpu.memory_space<vmem>> -> memref<98xi32, #tpu.memory_space<vmem>>
    %dma_wait3A_201 = arith.constant 0 : i32
    %dma_wait3A_202 = arith.constant 0 : i32
    %dma_wait3A_203 = tpu.memref_slice %arg5[%dma_wait3A_201, %dma_wait3A_202] : memref<401408x128xf32, #tpu.memory_space<hbm>> -> memref<401408x128xf32, #tpu.memory_space<hbm>>
    tpu.wait_indirect_dma semaphore(%arg13 : memref<!tpu.dma_semaphore, #tpu.memory_space<semaphore_mem>>) src(%arg9 : memref<98x128xf32, #tpu.memory_space<vmem>>) dst(%dma_wait3A_203 : memref<401408x128xf32, #tpu.memory_space<hbm>>)
    %dma_start3A_204 = arith.constant 8 : i32
    %dma_start3A_205 = arith.constant 0 : i32
    %dma_start3A_206 = tpu.memref_slice %arg8[%dma_start3A_204, %dma_start3A_205] : memref<16x98xi32, #tpu.memory_space<vmem>> -> memref<1x98xi32, #tpu.memory_space<vmem>>
    %dma_start3A_207 = tpu.memref_squeeze %dma_start3A_206 : memref<1x98xi32, #tpu.memory_space<vmem>> -> memref<98xi32, #tpu.memory_space<vmem>>
    %dma_start3A_208 = arith.constant 0 : i32
    %dma_start3A_209 = arith.constant 0 : i32
    %dma_start3A_210 = tpu.memref_slice %arg4[%dma_start3A_208, %dma_start3A_209] : memref<50176x128xf32, #tpu.memory_space<hbm>> -> memref<50176x128xf32, #tpu.memory_space<hbm>>
    tpu.enqueue_indirect_dma source(%dma_start3A_210 : memref<50176x128xf32, #tpu.memory_space<hbm>>) target(%arg9 : memref<98x128xf32, #tpu.memory_space<vmem>>) offsets(%dma_start3A_207 : memref<98xi32, #tpu.memory_space<vmem>>) semaphore(%arg11 : memref<!tpu.dma_semaphore, #tpu.memory_space<semaphore_mem>>)
    %dma_wait3A_211 = arith.constant 7 : i32
    %dma_wait3A_212 = arith.constant 0 : i32
    %dma_wait3A_213 = tpu.memref_slice %arg8[%dma_wait3A_211, %dma_wait3A_212] : memref<16x98xi32, #tpu.memory_space<vmem>> -> memref<1x98xi32, #tpu.memory_space<vmem>>
    %dma_wait3A_214 = tpu.memref_squeeze %dma_wait3A_213 : memref<1x98xi32, #tpu.memory_space<vmem>> -> memref<98xi32, #tpu.memory_space<vmem>>
    %dma_wait3A_215 = arith.constant 0 : i32
    %dma_wait3A_216 = arith.constant 0 : i32
    %dma_wait3A_217 = tpu.memref_slice %arg4[%dma_wait3A_215, %dma_wait3A_216] : memref<50176x128xf32, #tpu.memory_space<hbm>> -> memref<50176x128xf32, #tpu.memory_space<hbm>>
    tpu.wait_indirect_dma semaphore(%arg12 : memref<!tpu.dma_semaphore, #tpu.memory_space<semaphore_mem>>) src(%dma_wait3A_217 : memref<50176x128xf32, #tpu.memory_space<hbm>>) dst(%arg10 : memref<98x128xf32, #tpu.memory_space<vmem>>)
    %dma_start3A_218 = arith.constant 7 : i32
    %dma_start3A_219 = arith.constant 0 : i32
    %dma_start3A_220 = tpu.memref_slice %arg7[%dma_start3A_218, %dma_start3A_219] : memref<16x98xi32, #tpu.memory_space<vmem>> -> memref<1x98xi32, #tpu.memory_space<vmem>>
    %dma_start3A_221 = tpu.memref_squeeze %dma_start3A_220 : memref<1x98xi32, #tpu.memory_space<vmem>> -> memref<98xi32, #tpu.memory_space<vmem>>
    %dma_start3A_222 = arith.constant 0 : i32
    %dma_start3A_223 = arith.constant 0 : i32
    %dma_start3A_224 = tpu.memref_slice %arg5[%dma_start3A_222, %dma_start3A_223] : memref<401408x128xf32, #tpu.memory_space<hbm>> -> memref<401408x128xf32, #tpu.memory_space<hbm>>
    tpu.enqueue_indirect_dma source(%arg10 : memref<98x128xf32, #tpu.memory_space<vmem>>) target(%dma_start3A_224 : memref<401408x128xf32, #tpu.memory_space<hbm>>) offsets(%dma_start3A_221 : memref<98xi32, #tpu.memory_space<vmem>>) semaphore(%arg14 : memref<!tpu.dma_semaphore, #tpu.memory_space<semaphore_mem>>)
    %dma_wait3A_225 = arith.constant 7 : i32
    %dma_wait3A_226 = arith.constant 0 : i32
    %dma_wait3A_227 = tpu.memref_slice %arg7[%dma_wait3A_225, %dma_wait3A_226] : memref<16x98xi32, #tpu.memory_space<vmem>> -> memref<1x98xi32, #tpu.memory_space<vmem>>
    %dma_wait3A_228 = tpu.memref_squeeze %dma_wait3A_227 : memref<1x98xi32, #tpu.memory_space<vmem>> -> memref<98xi32, #tpu.memory_space<vmem>>
    %dma_wait3A_229 = arith.constant 0 : i32
    %dma_wait3A_230 = arith.constant 0 : i32
    %dma_wait3A_231 = tpu.memref_slice %arg5[%dma_wait3A_229, %dma_wait3A_230] : memref<401408x128xf32, #tpu.memory_space<hbm>> -> memref<401408x128xf32, #tpu.memory_space<hbm>>
    tpu.wait_indirect_dma semaphore(%arg14 : memref<!tpu.dma_semaphore, #tpu.memory_space<semaphore_mem>>) src(%arg10 : memref<98x128xf32, #tpu.memory_space<vmem>>) dst(%dma_wait3A_231 : memref<401408x128xf32, #tpu.memory_space<hbm>>)
    %dma_start3A_232 = arith.constant 9 : i32
    %dma_start3A_233 = arith.constant 0 : i32
    %dma_start3A_234 = tpu.memref_slice %arg8[%dma_start3A_232, %dma_start3A_233] : memref<16x98xi32, #tpu.memory_space<vmem>> -> memref<1x98xi32, #tpu.memory_space<vmem>>
    %dma_start3A_235 = tpu.memref_squeeze %dma_start3A_234 : memref<1x98xi32, #tpu.memory_space<vmem>> -> memref<98xi32, #tpu.memory_space<vmem>>
    %dma_start3A_236 = arith.constant 0 : i32
    %dma_start3A_237 = arith.constant 0 : i32
    %dma_start3A_238 = tpu.memref_slice %arg4[%dma_start3A_236, %dma_start3A_237] : memref<50176x128xf32, #tpu.memory_space<hbm>> -> memref<50176x128xf32, #tpu.memory_space<hbm>>
    tpu.enqueue_indirect_dma source(%dma_start3A_238 : memref<50176x128xf32, #tpu.memory_space<hbm>>) target(%arg10 : memref<98x128xf32, #tpu.memory_space<vmem>>) offsets(%dma_start3A_235 : memref<98xi32, #tpu.memory_space<vmem>>) semaphore(%arg12 : memref<!tpu.dma_semaphore, #tpu.memory_space<semaphore_mem>>)
    %dma_wait3A_239 = arith.constant 8 : i32
    %dma_wait3A_240 = arith.constant 0 : i32
    %dma_wait3A_241 = tpu.memref_slice %arg8[%dma_wait3A_239, %dma_wait3A_240] : memref<16x98xi32, #tpu.memory_space<vmem>> -> memref<1x98xi32, #tpu.memory_space<vmem>>
    %dma_wait3A_242 = tpu.memref_squeeze %dma_wait3A_241 : memref<1x98xi32, #tpu.memory_space<vmem>> -> memref<98xi32, #tpu.memory_space<vmem>>
    %dma_wait3A_243 = arith.constant 0 : i32
    %dma_wait3A_244 = arith.constant 0 : i32
    %dma_wait3A_245 = tpu.memref_slice %arg4[%dma_wait3A_243, %dma_wait3A_244] : memref<50176x128xf32, #tpu.memory_space<hbm>> -> memref<50176x128xf32, #tpu.memory_space<hbm>>
    tpu.wait_indirect_dma semaphore(%arg11 : memref<!tpu.dma_semaphore, #tpu.memory_space<semaphore_mem>>) src(%dma_wait3A_245 : memref<50176x128xf32, #tpu.memory_space<hbm>>) dst(%arg9 : memref<98x128xf32, #tpu.memory_space<vmem>>)
    %dma_start3A_246 = arith.constant 8 : i32
    %dma_start3A_247 = arith.constant 0 : i32
    %dma_start3A_248 = tpu.memref_slice %arg7[%dma_start3A_246, %dma_start3A_247] : memref<16x98xi32, #tpu.memory_space<vmem>> -> memref<1x98xi32, #tpu.memory_space<vmem>>
    %dma_start3A_249 = tpu.memref_squeeze %dma_start3A_248 : memref<1x98xi32, #tpu.memory_space<vmem>> -> memref<98xi32, #tpu.memory_space<vmem>>
    %dma_start3A_250 = arith.constant 0 : i32
    %dma_start3A_251 = arith.constant 0 : i32
    %dma_start3A_252 = tpu.memref_slice %arg5[%dma_start3A_250, %dma_start3A_251] : memref<401408x128xf32, #tpu.memory_space<hbm>> -> memref<401408x128xf32, #tpu.memory_space<hbm>>
    tpu.enqueue_indirect_dma source(%arg9 : memref<98x128xf32, #tpu.memory_space<vmem>>) target(%dma_start3A_252 : memref<401408x128xf32, #tpu.memory_space<hbm>>) offsets(%dma_start3A_249 : memref<98xi32, #tpu.memory_space<vmem>>) semaphore(%arg13 : memref<!tpu.dma_semaphore, #tpu.memory_space<semaphore_mem>>)
    %dma_wait3A_253 = arith.constant 8 : i32
    %dma_wait3A_254 = arith.constant 0 : i32
    %dma_wait3A_255 = tpu.memref_slice %arg7[%dma_wait3A_253, %dma_wait3A_254] : memref<16x98xi32, #tpu.memory_space<vmem>> -> memref<1x98xi32, #tpu.memory_space<vmem>>
    %dma_wait3A_256 = tpu.memref_squeeze %dma_wait3A_255 : memref<1x98xi32, #tpu.memory_space<vmem>> -> memref<98xi32, #tpu.memory_space<vmem>>
    %dma_wait3A_257 = arith.constant 0 : i32
    %dma_wait3A_258 = arith.constant 0 : i32
    %dma_wait3A_259 = tpu.memref_slice %arg5[%dma_wait3A_257, %dma_wait3A_258] : memref<401408x128xf32, #tpu.memory_space<hbm>> -> memref<401408x128xf32, #tpu.memory_space<hbm>>
    tpu.wait_indirect_dma semaphore(%arg13 : memref<!tpu.dma_semaphore, #tpu.memory_space<semaphore_mem>>) src(%arg9 : memref<98x128xf32, #tpu.memory_space<vmem>>) dst(%dma_wait3A_259 : memref<401408x128xf32, #tpu.memory_space<hbm>>)
    %dma_start3A_260 = arith.constant 10 : i32
    %dma_start3A_261 = arith.constant 0 : i32
    %dma_start3A_262 = tpu.memref_slice %arg8[%dma_start3A_260, %dma_start3A_261] : memref<16x98xi32, #tpu.memory_space<vmem>> -> memref<1x98xi32, #tpu.memory_space<vmem>>
    %dma_start3A_263 = tpu.memref_squeeze %dma_start3A_262 : memref<1x98xi32, #tpu.memory_space<vmem>> -> memref<98xi32, #tpu.memory_space<vmem>>
    %dma_start3A_264 = arith.constant 0 : i32
    %dma_start3A_265 = arith.constant 0 : i32
    %dma_start3A_266 = tpu.memref_slice %arg4[%dma_start3A_264, %dma_start3A_265] : memref<50176x128xf32, #tpu.memory_space<hbm>> -> memref<50176x128xf32, #tpu.memory_space<hbm>>
    tpu.enqueue_indirect_dma source(%dma_start3A_266 : memref<50176x128xf32, #tpu.memory_space<hbm>>) target(%arg9 : memref<98x128xf32, #tpu.memory_space<vmem>>) offsets(%dma_start3A_263 : memref<98xi32, #tpu.memory_space<vmem>>) semaphore(%arg11 : memref<!tpu.dma_semaphore, #tpu.memory_space<semaphore_mem>>)
    %dma_wait3A_267 = arith.constant 9 : i32
    %dma_wait3A_268 = arith.constant 0 : i32
    %dma_wait3A_269 = tpu.memref_slice %arg8[%dma_wait3A_267, %dma_wait3A_268] : memref<16x98xi32, #tpu.memory_space<vmem>> -> memref<1x98xi32, #tpu.memory_space<vmem>>
    %dma_wait3A_270 = tpu.memref_squeeze %dma_wait3A_269 : memref<1x98xi32, #tpu.memory_space<vmem>> -> memref<98xi32, #tpu.memory_space<vmem>>
    %dma_wait3A_271 = arith.constant 0 : i32
    %dma_wait3A_272 = arith.constant 0 : i32
    %dma_wait3A_273 = tpu.memref_slice %arg4[%dma_wait3A_271, %dma_wait3A_272] : memref<50176x128xf32, #tpu.memory_space<hbm>> -> memref<50176x128xf32, #tpu.memory_space<hbm>>
    tpu.wait_indirect_dma semaphore(%arg12 : memref<!tpu.dma_semaphore, #tpu.memory_space<semaphore_mem>>) src(%dma_wait3A_273 : memref<50176x128xf32, #tpu.memory_space<hbm>>) dst(%arg10 : memref<98x128xf32, #tpu.memory_space<vmem>>)
    %dma_start3A_274 = arith.constant 9 : i32
    %dma_start3A_275 = arith.constant 0 : i32
    %dma_start3A_276 = tpu.memref_slice %arg7[%dma_start3A_274, %dma_start3A_275] : memref<16x98xi32, #tpu.memory_space<vmem>> -> memref<1x98xi32, #tpu.memory_space<vmem>>
    %dma_start3A_277 = tpu.memref_squeeze %dma_start3A_276 : memref<1x98xi32, #tpu.memory_space<vmem>> -> memref<98xi32, #tpu.memory_space<vmem>>
    %dma_start3A_278 = arith.constant 0 : i32
    %dma_start3A_279 = arith.constant 0 : i32
    %dma_start3A_280 = tpu.memref_slice %arg5[%dma_start3A_278, %dma_start3A_279] : memref<401408x128xf32, #tpu.memory_space<hbm>> -> memref<401408x128xf32, #tpu.memory_space<hbm>>
    tpu.enqueue_indirect_dma source(%arg10 : memref<98x128xf32, #tpu.memory_space<vmem>>) target(%dma_start3A_280 : memref<401408x128xf32, #tpu.memory_space<hbm>>) offsets(%dma_start3A_277 : memref<98xi32, #tpu.memory_space<vmem>>) semaphore(%arg14 : memref<!tpu.dma_semaphore, #tpu.memory_space<semaphore_mem>>)
    %dma_wait3A_281 = arith.constant 9 : i32
    %dma_wait3A_282 = arith.constant 0 : i32
    %dma_wait3A_283 = tpu.memref_slice %arg7[%dma_wait3A_281, %dma_wait3A_282] : memref<16x98xi32, #tpu.memory_space<vmem>> -> memref<1x98xi32, #tpu.memory_space<vmem>>
    %dma_wait3A_284 = tpu.memref_squeeze %dma_wait3A_283 : memref<1x98xi32, #tpu.memory_space<vmem>> -> memref<98xi32, #tpu.memory_space<vmem>>
    %dma_wait3A_285 = arith.constant 0 : i32
    %dma_wait3A_286 = arith.constant 0 : i32
    %dma_wait3A_287 = tpu.memref_slice %arg5[%dma_wait3A_285, %dma_wait3A_286] : memref<401408x128xf32, #tpu.memory_space<hbm>> -> memref<401408x128xf32, #tpu.memory_space<hbm>>
    tpu.wait_indirect_dma semaphore(%arg14 : memref<!tpu.dma_semaphore, #tpu.memory_space<semaphore_mem>>) src(%arg10 : memref<98x128xf32, #tpu.memory_space<vmem>>) dst(%dma_wait3A_287 : memref<401408x128xf32, #tpu.memory_space<hbm>>)
    %dma_start3A_288 = arith.constant 11 : i32
    %dma_start3A_289 = arith.constant 0 : i32
    %dma_start3A_290 = tpu.memref_slice %arg8[%dma_start3A_288, %dma_start3A_289] : memref<16x98xi32, #tpu.memory_space<vmem>> -> memref<1x98xi32, #tpu.memory_space<vmem>>
    %dma_start3A_291 = tpu.memref_squeeze %dma_start3A_290 : memref<1x98xi32, #tpu.memory_space<vmem>> -> memref<98xi32, #tpu.memory_space<vmem>>
    %dma_start3A_292 = arith.constant 0 : i32
    %dma_start3A_293 = arith.constant 0 : i32
    %dma_start3A_294 = tpu.memref_slice %arg4[%dma_start3A_292, %dma_start3A_293] : memref<50176x128xf32, #tpu.memory_space<hbm>> -> memref<50176x128xf32, #tpu.memory_space<hbm>>
    tpu.enqueue_indirect_dma source(%dma_start3A_294 : memref<50176x128xf32, #tpu.memory_space<hbm>>) target(%arg10 : memref<98x128xf32, #tpu.memory_space<vmem>>) offsets(%dma_start3A_291 : memref<98xi32, #tpu.memory_space<vmem>>) semaphore(%arg12 : memref<!tpu.dma_semaphore, #tpu.memory_space<semaphore_mem>>)
    %dma_wait3A_295 = arith.constant 10 : i32
    %dma_wait3A_296 = arith.constant 0 : i32
    %dma_wait3A_297 = tpu.memref_slice %arg8[%dma_wait3A_295, %dma_wait3A_296] : memref<16x98xi32, #tpu.memory_space<vmem>> -> memref<1x98xi32, #tpu.memory_space<vmem>>
    %dma_wait3A_298 = tpu.memref_squeeze %dma_wait3A_297 : memref<1x98xi32, #tpu.memory_space<vmem>> -> memref<98xi32, #tpu.memory_space<vmem>>
    %dma_wait3A_299 = arith.constant 0 : i32
    %dma_wait3A_300 = arith.constant 0 : i32
    %dma_wait3A_301 = tpu.memref_slice %arg4[%dma_wait3A_299, %dma_wait3A_300] : memref<50176x128xf32, #tpu.memory_space<hbm>> -> memref<50176x128xf32, #tpu.memory_space<hbm>>
    tpu.wait_indirect_dma semaphore(%arg11 : memref<!tpu.dma_semaphore, #tpu.memory_space<semaphore_mem>>) src(%dma_wait3A_301 : memref<50176x128xf32, #tpu.memory_space<hbm>>) dst(%arg9 : memref<98x128xf32, #tpu.memory_space<vmem>>)
    %dma_start3A_302 = arith.constant 10 : i32
    %dma_start3A_303 = arith.constant 0 : i32
    %dma_start3A_304 = tpu.memref_slice %arg7[%dma_start3A_302, %dma_start3A_303] : memref<16x98xi32, #tpu.memory_space<vmem>> -> memref<1x98xi32, #tpu.memory_space<vmem>>
    %dma_start3A_305 = tpu.memref_squeeze %dma_start3A_304 : memref<1x98xi32, #tpu.memory_space<vmem>> -> memref<98xi32, #tpu.memory_space<vmem>>
    %dma_start3A_306 = arith.constant 0 : i32
    %dma_start3A_307 = arith.constant 0 : i32
    %dma_start3A_308 = tpu.memref_slice %arg5[%dma_start3A_306, %dma_start3A_307] : memref<401408x128xf32, #tpu.memory_space<hbm>> -> memref<401408x128xf32, #tpu.memory_space<hbm>>
    tpu.enqueue_indirect_dma source(%arg9 : memref<98x128xf32, #tpu.memory_space<vmem>>) target(%dma_start3A_308 : memref<401408x128xf32, #tpu.memory_space<hbm>>) offsets(%dma_start3A_305 : memref<98xi32, #tpu.memory_space<vmem>>) semaphore(%arg13 : memref<!tpu.dma_semaphore, #tpu.memory_space<semaphore_mem>>)
    %dma_wait3A_309 = arith.constant 10 : i32
    %dma_wait3A_310 = arith.constant 0 : i32
    %dma_wait3A_311 = tpu.memref_slice %arg7[%dma_wait3A_309, %dma_wait3A_310] : memref<16x98xi32, #tpu.memory_space<vmem>> -> memref<1x98xi32, #tpu.memory_space<vmem>>
    %dma_wait3A_312 = tpu.memref_squeeze %dma_wait3A_311 : memref<1x98xi32, #tpu.memory_space<vmem>> -> memref<98xi32, #tpu.memory_space<vmem>>
    %dma_wait3A_313 = arith.constant 0 : i32
    %dma_wait3A_314 = arith.constant 0 : i32
    %dma_wait3A_315 = tpu.memref_slice %arg5[%dma_wait3A_313, %dma_wait3A_314] : memref<401408x128xf32, #tpu.memory_space<hbm>> -> memref<401408x128xf32, #tpu.memory_space<hbm>>
    tpu.wait_indirect_dma semaphore(%arg13 : memref<!tpu.dma_semaphore, #tpu.memory_space<semaphore_mem>>) src(%arg9 : memref<98x128xf32, #tpu.memory_space<vmem>>) dst(%dma_wait3A_315 : memref<401408x128xf32, #tpu.memory_space<hbm>>)
    %dma_start3A_316 = arith.constant 12 : i32
    %dma_start3A_317 = arith.constant 0 : i32
    %dma_start3A_318 = tpu.memref_slice %arg8[%dma_start3A_316, %dma_start3A_317] : memref<16x98xi32, #tpu.memory_space<vmem>> -> memref<1x98xi32, #tpu.memory_space<vmem>>
    %dma_start3A_319 = tpu.memref_squeeze %dma_start3A_318 : memref<1x98xi32, #tpu.memory_space<vmem>> -> memref<98xi32, #tpu.memory_space<vmem>>
    %dma_start3A_320 = arith.constant 0 : i32
    %dma_start3A_321 = arith.constant 0 : i32
    %dma_start3A_322 = tpu.memref_slice %arg4[%dma_start3A_320, %dma_start3A_321] : memref<50176x128xf32, #tpu.memory_space<hbm>> -> memref<50176x128xf32, #tpu.memory_space<hbm>>
    tpu.enqueue_indirect_dma source(%dma_start3A_322 : memref<50176x128xf32, #tpu.memory_space<hbm>>) target(%arg9 : memref<98x128xf32, #tpu.memory_space<vmem>>) offsets(%dma_start3A_319 : memref<98xi32, #tpu.memory_space<vmem>>) semaphore(%arg11 : memref<!tpu.dma_semaphore, #tpu.memory_space<semaphore_mem>>)
    %dma_wait3A_323 = arith.constant 11 : i32
    %dma_wait3A_324 = arith.constant 0 : i32
    %dma_wait3A_325 = tpu.memref_slice %arg8[%dma_wait3A_323, %dma_wait3A_324] : memref<16x98xi32, #tpu.memory_space<vmem>> -> memref<1x98xi32, #tpu.memory_space<vmem>>
    %dma_wait3A_326 = tpu.memref_squeeze %dma_wait3A_325 : memref<1x98xi32, #tpu.memory_space<vmem>> -> memref<98xi32, #tpu.memory_space<vmem>>
    %dma_wait3A_327 = arith.constant 0 : i32
    %dma_wait3A_328 = arith.constant 0 : i32
    %dma_wait3A_329 = tpu.memref_slice %arg4[%dma_wait3A_327, %dma_wait3A_328] : memref<50176x128xf32, #tpu.memory_space<hbm>> -> memref<50176x128xf32, #tpu.memory_space<hbm>>
    tpu.wait_indirect_dma semaphore(%arg12 : memref<!tpu.dma_semaphore, #tpu.memory_space<semaphore_mem>>) src(%dma_wait3A_329 : memref<50176x128xf32, #tpu.memory_space<hbm>>) dst(%arg10 : memref<98x128xf32, #tpu.memory_space<vmem>>)
    %dma_start3A_330 = arith.constant 11 : i32
    %dma_start3A_331 = arith.constant 0 : i32
    %dma_start3A_332 = tpu.memref_slice %arg7[%dma_start3A_330, %dma_start3A_331] : memref<16x98xi32, #tpu.memory_space<vmem>> -> memref<1x98xi32, #tpu.memory_space<vmem>>
    %dma_start3A_333 = tpu.memref_squeeze %dma_start3A_332 : memref<1x98xi32, #tpu.memory_space<vmem>> -> memref<98xi32, #tpu.memory_space<vmem>>
    %dma_start3A_334 = arith.constant 0 : i32
    %dma_start3A_335 = arith.constant 0 : i32
    %dma_start3A_336 = tpu.memref_slice %arg5[%dma_start3A_334, %dma_start3A_335] : memref<401408x128xf32, #tpu.memory_space<hbm>> -> memref<401408x128xf32, #tpu.memory_space<hbm>>
    tpu.enqueue_indirect_dma source(%arg10 : memref<98x128xf32, #tpu.memory_space<vmem>>) target(%dma_start3A_336 : memref<401408x128xf32, #tpu.memory_space<hbm>>) offsets(%dma_start3A_333 : memref<98xi32, #tpu.memory_space<vmem>>) semaphore(%arg14 : memref<!tpu.dma_semaphore, #tpu.memory_space<semaphore_mem>>)
    %dma_wait3A_337 = arith.constant 11 : i32
    %dma_wait3A_338 = arith.constant 0 : i32
    %dma_wait3A_339 = tpu.memref_slice %arg7[%dma_wait3A_337, %dma_wait3A_338] : memref<16x98xi32, #tpu.memory_space<vmem>> -> memref<1x98xi32, #tpu.memory_space<vmem>>
    %dma_wait3A_340 = tpu.memref_squeeze %dma_wait3A_339 : memref<1x98xi32, #tpu.memory_space<vmem>> -> memref<98xi32, #tpu.memory_space<vmem>>
    %dma_wait3A_341 = arith.constant 0 : i32
    %dma_wait3A_342 = arith.constant 0 : i32
    %dma_wait3A_343 = tpu.memref_slice %arg5[%dma_wait3A_341, %dma_wait3A_342] : memref<401408x128xf32, #tpu.memory_space<hbm>> -> memref<401408x128xf32, #tpu.memory_space<hbm>>
    tpu.wait_indirect_dma semaphore(%arg14 : memref<!tpu.dma_semaphore, #tpu.memory_space<semaphore_mem>>) src(%arg10 : memref<98x128xf32, #tpu.memory_space<vmem>>) dst(%dma_wait3A_343 : memref<401408x128xf32, #tpu.memory_space<hbm>>)
    %dma_start3A_344 = arith.constant 13 : i32
    %dma_start3A_345 = arith.constant 0 : i32
    %dma_start3A_346 = tpu.memref_slice %arg8[%dma_start3A_344, %dma_start3A_345] : memref<16x98xi32, #tpu.memory_space<vmem>> -> memref<1x98xi32, #tpu.memory_space<vmem>>
    %dma_start3A_347 = tpu.memref_squeeze %dma_start3A_346 : memref<1x98xi32, #tpu.memory_space<vmem>> -> memref<98xi32, #tpu.memory_space<vmem>>
    %dma_start3A_348 = arith.constant 0 : i32
    %dma_start3A_349 = arith.constant 0 : i32
    %dma_start3A_350 = tpu.memref_slice %arg4[%dma_start3A_348, %dma_start3A_349] : memref<50176x128xf32, #tpu.memory_space<hbm>> -> memref<50176x128xf32, #tpu.memory_space<hbm>>
    tpu.enqueue_indirect_dma source(%dma_start3A_350 : memref<50176x128xf32, #tpu.memory_space<hbm>>) target(%arg10 : memref<98x128xf32, #tpu.memory_space<vmem>>) offsets(%dma_start3A_347 : memref<98xi32, #tpu.memory_space<vmem>>) semaphore(%arg12 : memref<!tpu.dma_semaphore, #tpu.memory_space<semaphore_mem>>)
    %dma_wait3A_351 = arith.constant 12 : i32
    %dma_wait3A_352 = arith.constant 0 : i32
    %dma_wait3A_353 = tpu.memref_slice %arg8[%dma_wait3A_351, %dma_wait3A_352] : memref<16x98xi32, #tpu.memory_space<vmem>> -> memref<1x98xi32, #tpu.memory_space<vmem>>
    %dma_wait3A_354 = tpu.memref_squeeze %dma_wait3A_353 : memref<1x98xi32, #tpu.memory_space<vmem>> -> memref<98xi32, #tpu.memory_space<vmem>>
    %dma_wait3A_355 = arith.constant 0 : i32
    %dma_wait3A_356 = arith.constant 0 : i32
    %dma_wait3A_357 = tpu.memref_slice %arg4[%dma_wait3A_355, %dma_wait3A_356] : memref<50176x128xf32, #tpu.memory_space<hbm>> -> memref<50176x128xf32, #tpu.memory_space<hbm>>
    tpu.wait_indirect_dma semaphore(%arg11 : memref<!tpu.dma_semaphore, #tpu.memory_space<semaphore_mem>>) src(%dma_wait3A_357 : memref<50176x128xf32, #tpu.memory_space<hbm>>) dst(%arg9 : memref<98x128xf32, #tpu.memory_space<vmem>>)
    %dma_start3A_358 = arith.constant 12 : i32
    %dma_start3A_359 = arith.constant 0 : i32
    %dma_start3A_360 = tpu.memref_slice %arg7[%dma_start3A_358, %dma_start3A_359] : memref<16x98xi32, #tpu.memory_space<vmem>> -> memref<1x98xi32, #tpu.memory_space<vmem>>
    %dma_start3A_361 = tpu.memref_squeeze %dma_start3A_360 : memref<1x98xi32, #tpu.memory_space<vmem>> -> memref<98xi32, #tpu.memory_space<vmem>>
    %dma_start3A_362 = arith.constant 0 : i32
    %dma_start3A_363 = arith.constant 0 : i32
    %dma_start3A_364 = tpu.memref_slice %arg5[%dma_start3A_362, %dma_start3A_363] : memref<401408x128xf32, #tpu.memory_space<hbm>> -> memref<401408x128xf32, #tpu.memory_space<hbm>>
    tpu.enqueue_indirect_dma source(%arg9 : memref<98x128xf32, #tpu.memory_space<vmem>>) target(%dma_start3A_364 : memref<401408x128xf32, #tpu.memory_space<hbm>>) offsets(%dma_start3A_361 : memref<98xi32, #tpu.memory_space<vmem>>) semaphore(%arg13 : memref<!tpu.dma_semaphore, #tpu.memory_space<semaphore_mem>>)
    %dma_wait3A_365 = arith.constant 12 : i32
    %dma_wait3A_366 = arith.constant 0 : i32
    %dma_wait3A_367 = tpu.memref_slice %arg7[%dma_wait3A_365, %dma_wait3A_366] : memref<16x98xi32, #tpu.memory_space<vmem>> -> memref<1x98xi32, #tpu.memory_space<vmem>>
    %dma_wait3A_368 = tpu.memref_squeeze %dma_wait3A_367 : memref<1x98xi32, #tpu.memory_space<vmem>> -> memref<98xi32, #tpu.memory_space<vmem>>
    %dma_wait3A_369 = arith.constant 0 : i32
    %dma_wait3A_370 = arith.constant 0 : i32
    %dma_wait3A_371 = tpu.memref_slice %arg5[%dma_wait3A_369, %dma_wait3A_370] : memref<401408x128xf32, #tpu.memory_space<hbm>> -> memref<401408x128xf32, #tpu.memory_space<hbm>>
    tpu.wait_indirect_dma semaphore(%arg13 : memref<!tpu.dma_semaphore, #tpu.memory_space<semaphore_mem>>) src(%arg9 : memref<98x128xf32, #tpu.memory_space<vmem>>) dst(%dma_wait3A_371 : memref<401408x128xf32, #tpu.memory_space<hbm>>)
    %dma_start3A_372 = arith.constant 14 : i32
    %dma_start3A_373 = arith.constant 0 : i32
    %dma_start3A_374 = tpu.memref_slice %arg8[%dma_start3A_372, %dma_start3A_373] : memref<16x98xi32, #tpu.memory_space<vmem>> -> memref<1x98xi32, #tpu.memory_space<vmem>>
    %dma_start3A_375 = tpu.memref_squeeze %dma_start3A_374 : memref<1x98xi32, #tpu.memory_space<vmem>> -> memref<98xi32, #tpu.memory_space<vmem>>
    %dma_start3A_376 = arith.constant 0 : i32
    %dma_start3A_377 = arith.constant 0 : i32
    %dma_start3A_378 = tpu.memref_slice %arg4[%dma_start3A_376, %dma_start3A_377] : memref<50176x128xf32, #tpu.memory_space<hbm>> -> memref<50176x128xf32, #tpu.memory_space<hbm>>
    tpu.enqueue_indirect_dma source(%dma_start3A_378 : memref<50176x128xf32, #tpu.memory_space<hbm>>) target(%arg9 : memref<98x128xf32, #tpu.memory_space<vmem>>) offsets(%dma_start3A_375 : memref<98xi32, #tpu.memory_space<vmem>>) semaphore(%arg11 : memref<!tpu.dma_semaphore, #tpu.memory_space<semaphore_mem>>)
    %dma_wait3A_379 = arith.constant 13 : i32
    %dma_wait3A_380 = arith.constant 0 : i32
    %dma_wait3A_381 = tpu.memref_slice %arg8[%dma_wait3A_379, %dma_wait3A_380] : memref<16x98xi32, #tpu.memory_space<vmem>> -> memref<1x98xi32, #tpu.memory_space<vmem>>
    %dma_wait3A_382 = tpu.memref_squeeze %dma_wait3A_381 : memref<1x98xi32, #tpu.memory_space<vmem>> -> memref<98xi32, #tpu.memory_space<vmem>>
    %dma_wait3A_383 = arith.constant 0 : i32
    %dma_wait3A_384 = arith.constant 0 : i32
    %dma_wait3A_385 = tpu.memref_slice %arg4[%dma_wait3A_383, %dma_wait3A_384] : memref<50176x128xf32, #tpu.memory_space<hbm>> -> memref<50176x128xf32, #tpu.memory_space<hbm>>
    tpu.wait_indirect_dma semaphore(%arg12 : memref<!tpu.dma_semaphore, #tpu.memory_space<semaphore_mem>>) src(%dma_wait3A_385 : memref<50176x128xf32, #tpu.memory_space<hbm>>) dst(%arg10 : memref<98x128xf32, #tpu.memory_space<vmem>>)
    %dma_start3A_386 = arith.constant 13 : i32
    %dma_start3A_387 = arith.constant 0 : i32
    %dma_start3A_388 = tpu.memref_slice %arg7[%dma_start3A_386, %dma_start3A_387] : memref<16x98xi32, #tpu.memory_space<vmem>> -> memref<1x98xi32, #tpu.memory_space<vmem>>
    %dma_start3A_389 = tpu.memref_squeeze %dma_start3A_388 : memref<1x98xi32, #tpu.memory_space<vmem>> -> memref<98xi32, #tpu.memory_space<vmem>>
    %dma_start3A_390 = arith.constant 0 : i32
    %dma_start3A_391 = arith.constant 0 : i32
    %dma_start3A_392 = tpu.memref_slice %arg5[%dma_start3A_390, %dma_start3A_391] : memref<401408x128xf32, #tpu.memory_space<hbm>> -> memref<401408x128xf32, #tpu.memory_space<hbm>>
    tpu.enqueue_indirect_dma source(%arg10 : memref<98x128xf32, #tpu.memory_space<vmem>>) target(%dma_start3A_392 : memref<401408x128xf32, #tpu.memory_space<hbm>>) offsets(%dma_start3A_389 : memref<98xi32, #tpu.memory_space<vmem>>) semaphore(%arg14 : memref<!tpu.dma_semaphore, #tpu.memory_space<semaphore_mem>>)
    %dma_wait3A_393 = arith.constant 13 : i32
    %dma_wait3A_394 = arith.constant 0 : i32
    %dma_wait3A_395 = tpu.memref_slice %arg7[%dma_wait3A_393, %dma_wait3A_394] : memref<16x98xi32, #tpu.memory_space<vmem>> -> memref<1x98xi32, #tpu.memory_space<vmem>>
    %dma_wait3A_396 = tpu.memref_squeeze %dma_wait3A_395 : memref<1x98xi32, #tpu.memory_space<vmem>> -> memref<98xi32, #tpu.memory_space<vmem>>
    %dma_wait3A_397 = arith.constant 0 : i32
    %dma_wait3A_398 = arith.constant 0 : i32
    %dma_wait3A_399 = tpu.memref_slice %arg5[%dma_wait3A_397, %dma_wait3A_398] : memref<401408x128xf32, #tpu.memory_space<hbm>> -> memref<401408x128xf32, #tpu.memory_space<hbm>>
    tpu.wait_indirect_dma semaphore(%arg14 : memref<!tpu.dma_semaphore, #tpu.memory_space<semaphore_mem>>) src(%arg10 : memref<98x128xf32, #tpu.memory_space<vmem>>) dst(%dma_wait3A_399 : memref<401408x128xf32, #tpu.memory_space<hbm>>)
    %dma_start3A_400 = arith.constant 15 : i32
    %dma_start3A_401 = arith.constant 0 : i32
    %dma_start3A_402 = tpu.memref_slice %arg8[%dma_start3A_400, %dma_start3A_401] : memref<16x98xi32, #tpu.memory_space<vmem>> -> memref<1x98xi32, #tpu.memory_space<vmem>>
    %dma_start3A_403 = tpu.memref_squeeze %dma_start3A_402 : memref<1x98xi32, #tpu.memory_space<vmem>> -> memref<98xi32, #tpu.memory_space<vmem>>
    %dma_start3A_404 = arith.constant 0 : i32
    %dma_start3A_405 = arith.constant 0 : i32
    %dma_start3A_406 = tpu.memref_slice %arg4[%dma_start3A_404, %dma_start3A_405] : memref<50176x128xf32, #tpu.memory_space<hbm>> -> memref<50176x128xf32, #tpu.memory_space<hbm>>
    tpu.enqueue_indirect_dma source(%dma_start3A_406 : memref<50176x128xf32, #tpu.memory_space<hbm>>) target(%arg10 : memref<98x128xf32, #tpu.memory_space<vmem>>) offsets(%dma_start3A_403 : memref<98xi32, #tpu.memory_space<vmem>>) semaphore(%arg12 : memref<!tpu.dma_semaphore, #tpu.memory_space<semaphore_mem>>)
    %dma_wait3A_407 = arith.constant 14 : i32
    %dma_wait3A_408 = arith.constant 0 : i32
    %dma_wait3A_409 = tpu.memref_slice %arg8[%dma_wait3A_407, %dma_wait3A_408] : memref<16x98xi32, #tpu.memory_space<vmem>> -> memref<1x98xi32, #tpu.memory_space<vmem>>
    %dma_wait3A_410 = tpu.memref_squeeze %dma_wait3A_409 : memref<1x98xi32, #tpu.memory_space<vmem>> -> memref<98xi32, #tpu.memory_space<vmem>>
    %dma_wait3A_411 = arith.constant 0 : i32
    %dma_wait3A_412 = arith.constant 0 : i32
    %dma_wait3A_413 = tpu.memref_slice %arg4[%dma_wait3A_411, %dma_wait3A_412] : memref<50176x128xf32, #tpu.memory_space<hbm>> -> memref<50176x128xf32, #tpu.memory_space<hbm>>
    tpu.wait_indirect_dma semaphore(%arg11 : memref<!tpu.dma_semaphore, #tpu.memory_space<semaphore_mem>>) src(%dma_wait3A_413 : memref<50176x128xf32, #tpu.memory_space<hbm>>) dst(%arg9 : memref<98x128xf32, #tpu.memory_space<vmem>>)
    %dma_start3A_414 = arith.constant 14 : i32
    %dma_start3A_415 = arith.constant 0 : i32
    %dma_start3A_416 = tpu.memref_slice %arg7[%dma_start3A_414, %dma_start3A_415] : memref<16x98xi32, #tpu.memory_space<vmem>> -> memref<1x98xi32, #tpu.memory_space<vmem>>
    %dma_start3A_417 = tpu.memref_squeeze %dma_start3A_416 : memref<1x98xi32, #tpu.memory_space<vmem>> -> memref<98xi32, #tpu.memory_space<vmem>>
    %dma_start3A_418 = arith.constant 0 : i32
    %dma_start3A_419 = arith.constant 0 : i32
    %dma_start3A_420 = tpu.memref_slice %arg5[%dma_start3A_418, %dma_start3A_419] : memref<401408x128xf32, #tpu.memory_space<hbm>> -> memref<401408x128xf32, #tpu.memory_space<hbm>>
    tpu.enqueue_indirect_dma source(%arg9 : memref<98x128xf32, #tpu.memory_space<vmem>>) target(%dma_start3A_420 : memref<401408x128xf32, #tpu.memory_space<hbm>>) offsets(%dma_start3A_417 : memref<98xi32, #tpu.memory_space<vmem>>) semaphore(%arg13 : memref<!tpu.dma_semaphore, #tpu.memory_space<semaphore_mem>>)
    %dma_wait3A_421 = arith.constant 15 : i32
    %dma_wait3A_422 = arith.constant 0 : i32
    %dma_wait3A_423 = tpu.memref_slice %arg8[%dma_wait3A_421, %dma_wait3A_422] : memref<16x98xi32, #tpu.memory_space<vmem>> -> memref<1x98xi32, #tpu.memory_space<vmem>>
    %dma_wait3A_424 = tpu.memref_squeeze %dma_wait3A_423 : memref<1x98xi32, #tpu.memory_space<vmem>> -> memref<98xi32, #tpu.memory_space<vmem>>
    %dma_wait3A_425 = arith.constant 0 : i32
    %dma_wait3A_426 = arith.constant 0 : i32
    %dma_wait3A_427 = tpu.memref_slice %arg4[%dma_wait3A_425, %dma_wait3A_426] : memref<50176x128xf32, #tpu.memory_space<hbm>> -> memref<50176x128xf32, #tpu.memory_space<hbm>>
    tpu.wait_indirect_dma semaphore(%arg12 : memref<!tpu.dma_semaphore, #tpu.memory_space<semaphore_mem>>) src(%dma_wait3A_427 : memref<50176x128xf32, #tpu.memory_space<hbm>>) dst(%arg10 : memref<98x128xf32, #tpu.memory_space<vmem>>)
    %dma_start3A_428 = arith.constant 15 : i32
    %dma_start3A_429 = arith.constant 0 : i32
    %dma_start3A_430 = tpu.memref_slice %arg7[%dma_start3A_428, %dma_start3A_429] : memref<16x98xi32, #tpu.memory_space<vmem>> -> memref<1x98xi32, #tpu.memory_space<vmem>>
    %dma_start3A_431 = tpu.memref_squeeze %dma_start3A_430 : memref<1x98xi32, #tpu.memory_space<vmem>> -> memref<98xi32, #tpu.memory_space<vmem>>
    %dma_start3A_432 = arith.constant 0 : i32
    %dma_start3A_433 = arith.constant 0 : i32
    %dma_start3A_434 = tpu.memref_slice %arg5[%dma_start3A_432, %dma_start3A_433] : memref<401408x128xf32, #tpu.memory_space<hbm>> -> memref<401408x128xf32, #tpu.memory_space<hbm>>
    tpu.enqueue_indirect_dma source(%arg10 : memref<98x128xf32, #tpu.memory_space<vmem>>) target(%dma_start3A_434 : memref<401408x128xf32, #tpu.memory_space<hbm>>) offsets(%dma_start3A_431 : memref<98xi32, #tpu.memory_space<vmem>>) semaphore(%arg14 : memref<!tpu.dma_semaphore, #tpu.memory_space<semaphore_mem>>)
    %dma_wait3A_435 = arith.constant 0 : i32
    %dma_wait3A_436 = arith.constant 0 : i32
    %dma_wait3A_437 = tpu.memref_slice %arg7[%dma_wait3A_435, %dma_wait3A_436] : memref<16x98xi32, #tpu.memory_space<vmem>> -> memref<1x98xi32, #tpu.memory_space<vmem>>
    %dma_wait3A_438 = tpu.memref_squeeze %dma_wait3A_437 : memref<1x98xi32, #tpu.memory_space<vmem>> -> memref<98xi32, #tpu.memory_space<vmem>>
    %dma_wait3A_439 = arith.constant 0 : i32
    %dma_wait3A_440 = arith.constant 0 : i32
    %dma_wait3A_441 = tpu.memref_slice %arg5[%dma_wait3A_439, %dma_wait3A_440] : memref<401408x128xf32, #tpu.memory_space<hbm>> -> memref<401408x128xf32, #tpu.memory_space<hbm>>
    tpu.wait_indirect_dma semaphore(%arg13 : memref<!tpu.dma_semaphore, #tpu.memory_space<semaphore_mem>>) src(%arg9 : memref<98x128xf32, #tpu.memory_space<vmem>>) dst(%dma_wait3A_441 : memref<401408x128xf32, #tpu.memory_space<hbm>>)
    %dma_wait3A_442 = arith.constant 1 : i32
    %dma_wait3A_443 = arith.constant 0 : i32
    %dma_wait3A_444 = tpu.memref_slice %arg7[%dma_wait3A_442, %dma_wait3A_443] : memref<16x98xi32, #tpu.memory_space<vmem>> -> memref<1x98xi32, #tpu.memory_space<vmem>>
    %dma_wait3A_445 = tpu.memref_squeeze %dma_wait3A_444 : memref<1x98xi32, #tpu.memory_space<vmem>> -> memref<98xi32, #tpu.memory_space<vmem>>
    %dma_wait3A_446 = arith.constant 0 : i32
    %dma_wait3A_447 = arith.constant 0 : i32
    %dma_wait3A_448 = tpu.memref_slice %arg5[%dma_wait3A_446, %dma_wait3A_447] : memref<401408x128xf32, #tpu.memory_space<hbm>> -> memref<401408x128xf32, #tpu.memory_space<hbm>>
    tpu.wait_indirect_dma semaphore(%arg14 : memref<!tpu.dma_semaphore, #tpu.memory_space<semaphore_mem>>) src(%arg10 : memref<98x128xf32, #tpu.memory_space<vmem>>) dst(%dma_wait3A_448 : memref<401408x128xf32, #tpu.memory_space<hbm>>)
    return
  }
}

module attributes {stable_mosaic.version = 14 : i64} {
  func.func @_argmin_body(%arg0: i32, %arg1: memref<1024x320xf32, #tpu.memory_space<vmem>>, %arg2: memref<256x320xf32, #tpu.memory_space<vmem>>, %arg3: memref<1x1024xi32, #tpu.memory_space<vmem>>, %arg4: memref<1x1024xf32, #tpu.memory_space<vmem>>, %arg5: memref<1x1xf32, #tpu.memory_space<vmem>>, %arg6: memref<1024x320xbf16, #tpu.memory_space<vmem>>, %arg7: memref<1x1024xf32, #tpu.memory_space<vmem>>, %arg8: memref<1x1024xf32, #tpu.memory_space<vmem>>, %arg9: memref<1x1024xi32, #tpu.memory_space<vmem>>) attributes {dimension_semantics = [#tpu.dimension_semantics<arbitrary>], iteration_bounds = array<i64: 32>, scalar_prefetch = 0 : i64, scratch_operands = 4 : i64, tpu.core_type = #tpu.core_type<tc>, window_params = [{pipeline_mode = #tpu.pipeline_mode<synchronous>, transform_indices = @transform_0, window_bounds = array<i64: 1024, 320>}, {transform_indices = @transform_1, window_bounds = array<i64: 256, 320>}, {pipeline_mode = #tpu.pipeline_mode<synchronous>, transform_indices = @transform_2, window_bounds = array<i64: 1, 1024>}, {pipeline_mode = #tpu.pipeline_mode<synchronous>, transform_indices = @transform_3, window_bounds = array<i64: 1, 1024>}, {pipeline_mode = #tpu.pipeline_mode<synchronous>, transform_indices = @transform_4, window_bounds = array<i64: 1, 1>}]} {
    %eq3A = arith.constant 0 : i32
    %eq3A_0 = arith.cmpi eq, %arg0, %eq3A : i32
    %convert_element_type3A = arith.extui %eq3A_0 : i1 to i32
    %cond3A = arith.constant 0 : i32
    %cond3A_1 = arith.cmpi ne, %convert_element_type3A, %cond3A : i32
    scf.if %cond3A_1 {
      %get3A_51 = arith.constant 0 : index
      %get3A_52 = arith.constant 0 : index
      %get3A_53 = vector.load %arg1[%get3A_51, %get3A_52] : memref<1024x320xf32, #tpu.memory_space<vmem>>, vector<1024x320xf32>
      %convert_element_type3A_54 = arith.truncf %get3A_53 : vector<1024x320xf32> to vector<1024x320xbf16>
      %swap3A_55 = arith.constant 0 : index
      %swap3A_56 = arith.constant 0 : index
      %swap3A_57 = vector.load %arg6[%swap3A_55, %swap3A_56] : memref<1024x320xbf16, #tpu.memory_space<vmem>>, vector<1024x320xbf16>
      tpu.vector_store %arg6[%swap3A_55, %swap3A_56], %convert_element_type3A_54 {strides = array<i32>} : memref<1024x320xbf16, #tpu.memory_space<vmem>>, vector<1024x320xbf16>,
      %mul3A_58 = arith.mulf %get3A_53, %get3A_53 : vector<1024x320xf32>
      %convert_element_type3A_59 = arith.truncf %mul3A_58 : vector<1024x320xf32> to vector<1024x320xbf16>
      %broadcast_in_dim3A_60 = arith.constant 1.000000e+00 : bf16
      %broadcast_in_dim3A_61 = vector.broadcast %broadcast_in_dim3A_60 : bf16 to vector<1x320xbf16>
      %dot_general3A_62 = arith.constant dense<0.000000e+00> : vector<1x1024xf32>
      %dot_general3A_63 = tpu.matmul %broadcast_in_dim3A_61, %convert_element_type3A_59, %dot_general3A_62 {dimension_numbers = #tpu.dot_dimension_numbers<[1], [1], [0], [0], [0, 0, 1, 0], [], []>, transpose_lhs_hint = false} : vector<1x320xbf16>, vector<1024x320xbf16>, vector<1x1024xf32> -> vector<1x1024xf32>
      %swap3A_64 = arith.constant 0 : index
      %swap3A_65 = arith.constant 0 : index
      %swap3A_66 = vector.load %arg7[%swap3A_64, %swap3A_65] : memref<1x1024xf32, #tpu.memory_space<vmem>>, vector<1x1024xf32>
      tpu.vector_store %arg7[%swap3A_64, %swap3A_65], %dot_general3A_63 {strides = array<i32>} : memref<1x1024xf32, #tpu.memory_space<vmem>>, vector<1x1024xf32>,
      %broadcast_in_dim3A_67 = arith.constant 0x7F800000 : f32
      %broadcast_in_dim3A_68 = vector.broadcast %broadcast_in_dim3A_67 : f32 to vector<1x1024xf32>
      %swap3A_69 = arith.constant 0 : index
      %swap3A_70 = arith.constant 0 : index
      %swap3A_71 = vector.load %arg8[%swap3A_69, %swap3A_70] : memref<1x1024xf32, #tpu.memory_space<vmem>>, vector<1x1024xf32>
      tpu.vector_store %arg8[%swap3A_69, %swap3A_70], %broadcast_in_dim3A_68 {strides = array<i32>} : memref<1x1024xf32, #tpu.memory_space<vmem>>, vector<1x1024xf32>,
      %broadcast_in_dim3A_72 = arith.constant 0 : i32
      %broadcast_in_dim3A_73 = vector.broadcast %broadcast_in_dim3A_72 : i32 to vector<1x1024xi32>
      %swap3A_74 = arith.constant 0 : index
      %swap3A_75 = arith.constant 0 : index
      %swap3A_76 = vector.load %arg9[%swap3A_74, %swap3A_75] : memref<1x1024xi32, #tpu.memory_space<vmem>>, vector<1x1024xi32>
      tpu.vector_store %arg9[%swap3A_74, %swap3A_75], %broadcast_in_dim3A_73 {strides = array<i32>} : memref<1x1024xi32, #tpu.memory_space<vmem>>, vector<1x1024xi32>,
    } else {
    }
    %get3A = arith.constant 0 : index
    %get3A_2 = arith.constant 0 : index
    %get3A_3 = vector.load %arg2[%get3A, %get3A_2] : memref<256x320xf32, #tpu.memory_space<vmem>>, vector<256x320xf32>
    %convert_element_type3A_4 = arith.truncf %get3A_3 : vector<256x320xf32> to vector<256x320xbf16>
    %get3A_5 = arith.constant 0 : index
    %get3A_6 = arith.constant 0 : index
    %get3A_7 = vector.load %arg6[%get3A_5, %get3A_6] : memref<1024x320xbf16, #tpu.memory_space<vmem>>, vector<1024x320xbf16>
    %dot_general3A = arith.constant dense<0.000000e+00> : vector<256x1024xf32>
    %dot_general3A_8 = tpu.matmul %convert_element_type3A_4, %get3A_7, %dot_general3A {dimension_numbers = #tpu.dot_dimension_numbers<[1], [1], [0], [0], [0, 0, 1, 0], [], []>, transpose_lhs_hint = false} : vector<256x320xbf16>, vector<1024x320xbf16>, vector<256x1024xf32> -> vector<256x1024xf32>
    %mul3A = arith.mulf %get3A_3, %get3A_3 : vector<256x320xf32>
    %reduce_sum3A = arith.constant dense<0.000000e+00> : vector<256xf32>
    %reduce_sum3A_9 = vector.multi_reduction <add>, %mul3A, %reduce_sum3A [1] : vector<256x320xf32> to vector<256xf32>
    %broadcast_in_dim3A = vector.shape_cast %reduce_sum3A_9 : vector<256xf32> to vector<256x1xf32>
    %get3A_10 = arith.constant 0 : index
    %get3A_11 = arith.constant 0 : index
    %get3A_12 = vector.load %arg7[%get3A_10, %get3A_11] : memref<1x1024xf32, #tpu.memory_space<vmem>>, vector<1x1024xf32>
    %add3A = vector.broadcast %broadcast_in_dim3A : vector<256x1xf32> to vector<256x1024xf32>
    %add3A_13 = vector.broadcast %get3A_12 : vector<1x1024xf32> to vector<256x1024xf32>
    %add3A_14 = arith.addf %add3A, %add3A_13 : vector<256x1024xf32>
    %mul3A_15 = arith.constant 2.000000e+00 : f32
    %mul3A_16 = vector.broadcast %mul3A_15 : f32 to vector<256x1024xf32>
    %mul3A_17 = arith.mulf %mul3A_16, %dot_general3A_8 : vector<256x1024xf32>
    %sub3A = arith.subf %add3A_14, %mul3A_17 : vector<256x1024xf32>
    %reduce_min3A = arith.constant dense<0x7F800000> : vector<1024xf32>
    %reduce_min3A_18 = vector.multi_reduction <minimumf>, %sub3A, %reduce_min3A [0] : vector<256x1024xf32> to vector<1024xf32>
    %broadcast_in_dim3A_19 = vector.shape_cast %reduce_min3A_18 : vector<1024xf32> to vector<1x1024xf32>
    %iota3A = tpu.iota {dimensions = array<i32: 0>} : vector<256x1024xi32>
    %eq3A_20 = vector.broadcast %broadcast_in_dim3A_19 : vector<1x1024xf32> to vector<256x1024xf32>
    %eq3A_21 = arith.cmpf oeq, %sub3A, %eq3A_20 : vector<256x1024xf32>
    %jit3A = arith.constant 8192 : i32
    %broadcast_in_dim3A_22 = vector.broadcast %jit3A : i32 to vector<256x1024xi32>
    %select_n3A = arith.select %eq3A_21, %iota3A, %broadcast_in_dim3A_22 : vector<256x1024xi1>, vector<256x1024xi32>
    %reduce_min3A_23 = arith.constant dense<2147483647> : vector<1024xi32>
    %reduce_min3A_24 = vector.multi_reduction <minsi>, %select_n3A, %reduce_min3A_23 [0] : vector<256x1024xi32> to vector<1024xi32>
    %broadcast_in_dim3A_25 = vector.shape_cast %reduce_min3A_24 : vector<1024xi32> to vector<1x1024xi32>
    %mul3A_26 = arith.constant 256 : i32
    %mul3A_27 = arith.muli %arg0, %mul3A_26 : i32
    %add3A_28 = vector.broadcast %mul3A_27 : i32 to vector<1x1024xi32>
    %add3A_29 = arith.addi %broadcast_in_dim3A_25, %add3A_28 : vector<1x1024xi32>
    %get3A_30 = arith.constant 0 : index
    %get3A_31 = arith.constant 0 : index
    %get3A_32 = vector.load %arg8[%get3A_30, %get3A_31] : memref<1x1024xf32, #tpu.memory_space<vmem>>, vector<1x1024xf32>
    %lt3A = arith.cmpf olt, %broadcast_in_dim3A_19, %get3A_32 : vector<1x1024xf32>
    %get3A_33 = arith.constant 0 : index
    %get3A_34 = arith.constant 0 : index
    %get3A_35 = vector.load %arg9[%get3A_33, %get3A_34] : memref<1x1024xi32, #tpu.memory_space<vmem>>, vector<1x1024xi32>
    %select_n3A_36 = arith.select %lt3A, %add3A_29, %get3A_35 : vector<1x1024xi1>, vector<1x1024xi32>
    %swap3A = arith.constant 0 : index
    %swap3A_37 = arith.constant 0 : index
    %swap3A_38 = vector.load %arg9[%swap3A, %swap3A_37] : memref<1x1024xi32, #tpu.memory_space<vmem>>, vector<1x1024xi32>
    tpu.vector_store %arg9[%swap3A, %swap3A_37], %select_n3A_36 {strides = array<i32>} : memref<1x1024xi32, #tpu.memory_space<vmem>>, vector<1x1024xi32>,
    %get3A_39 = arith.constant 0 : index
    %get3A_40 = arith.constant 0 : index
    %get3A_41 = vector.load %arg8[%get3A_39, %get3A_40] : memref<1x1024xf32, #tpu.memory_space<vmem>>, vector<1x1024xf32>
    %select_n3A_42 = arith.select %lt3A, %broadcast_in_dim3A_19, %get3A_41 : vector<1x1024xi1>, vector<1x1024xf32>
    %swap3A_43 = arith.constant 0 : index
    %swap3A_44 = arith.constant 0 : index
    %swap3A_45 = vector.load %arg8[%swap3A_43, %swap3A_44] : memref<1x1024xf32, #tpu.memory_space<vmem>>, vector<1x1024xf32>
    tpu.vector_store %arg8[%swap3A_43, %swap3A_44], %select_n3A_42 {strides = array<i32>} : memref<1x1024xf32, #tpu.memory_space<vmem>>, vector<1x1024xf32>,
    %eq3A_46 = arith.constant 31 : i32
    %eq3A_47 = arith.cmpi eq, %arg0, %eq3A_46 : i32
    %convert_element_type3A_48 = arith.extui %eq3A_47 : i1 to i32
    %cond3A_49 = arith.constant 0 : i32
    %cond3A_50 = arith.cmpi ne, %convert_element_type3A_48, %cond3A_49 : i32
    scf.if %cond3A_50 {
      %get3A_51 = arith.constant 0 : index
      %get3A_52 = arith.constant 0 : index
      %get3A_53 = vector.load %arg9[%get3A_51, %get3A_52] : memref<1x1024xi32, #tpu.memory_space<vmem>>, vector<1x1024xi32>
      %swap3A_54 = arith.constant 0 : index
      %swap3A_55 = arith.constant 0 : index
      %swap3A_56 = vector.load %arg3[%swap3A_54, %swap3A_55] : memref<1x1024xi32, #tpu.memory_space<vmem>>, vector<1x1024xi32>
      tpu.vector_store %arg3[%swap3A_54, %swap3A_55], %get3A_53 {strides = array<i32>} : memref<1x1024xi32, #tpu.memory_space<vmem>>, vector<1x1024xi32>,
      %get3A_57 = arith.constant 0 : index
      %get3A_58 = arith.constant 0 : index
      %get3A_59 = vector.load %arg8[%get3A_57, %get3A_58] : memref<1x1024xf32, #tpu.memory_space<vmem>>, vector<1x1024xf32>
      %swap3A_60 = arith.constant 0 : index
      %swap3A_61 = arith.constant 0 : index
      %swap3A_62 = vector.load %arg4[%swap3A_60, %swap3A_61] : memref<1x1024xf32, #tpu.memory_space<vmem>>, vector<1x1024xf32>
      tpu.vector_store %arg4[%swap3A_60, %swap3A_61], %get3A_59 {strides = array<i32>} : memref<1x1024xf32, #tpu.memory_space<vmem>>, vector<1x1024xf32>,
      %get3A_63 = arith.constant 0 : index
      %get3A_64 = arith.constant 0 : index
      %get3A_65 = vector.load %arg8[%get3A_63, %get3A_64] : memref<1x1024xf32, #tpu.memory_space<vmem>>, vector<1x1024xf32>
      %reduce_sum3A_66 = vector.shape_cast %get3A_65 : vector<1x1024xf32> to vector<1x1x1024xf32>
      %reduce_sum3A_67 = arith.constant dense<0.000000e+00> : vector<1xf32>
      %reduce_sum3A_68 = vector.multi_reduction <add>, %reduce_sum3A_66, %reduce_sum3A_67 [1, 2] : vector<1x1x1024xf32> to vector<1xf32>
      %reduce_sum3A_69 = vector.shape_cast %reduce_sum3A_68 : vector<1xf32> to vector<1x1x1xf32>
      %reduce_sum3A_70 = vector.extract %reduce_sum3A_69[0, 0, 0] : f32 from vector<1x1x1xf32>
      %broadcast_in_dim3A_71 = vector.broadcast %reduce_sum3A_70 : f32 to vector<1x1xf32>
      %mul3A_72 = arith.constant 1.250000e+00 : f32
      %mul3A_73 = vector.broadcast %mul3A_72 : f32 to vector<1x1xf32>
      %mul3A_74 = arith.mulf %mul3A_73, %broadcast_in_dim3A_71 : vector<1x1xf32>
      %div3A = arith.constant 3.276800e+05 : f32
      %div3A_75 = vector.broadcast %div3A : f32 to vector<1x1xf32>
      %div3A_76 = arith.divf %mul3A_74, %div3A_75 : vector<1x1xf32>
      %swap3A_77 = arith.constant 0 : index
      %swap3A_78 = arith.constant 0 : index
      %swap3A_79 = vector.load %arg5[%swap3A_77, %swap3A_78] : memref<1x1xf32, #tpu.memory_space<vmem>>, vector<1x1xf32>
      tpu.vector_store %arg5[%swap3A_77, %swap3A_78], %div3A_76 {strides = array<i32>} : memref<1x1xf32, #tpu.memory_space<vmem>>, vector<1x1xf32>,
    } else {
    }
    return
  }
  func.func @transform_0(%arg0: i32) -> (i32, i32) {
    %c0_i32 = arith.constant 0 : i32
    %c0_i32_0 = arith.constant 0 : i32
    %c0_i32_1 = arith.constant 0 : i32
    return %c0_i32, %c0_i32_0 : i32, i32
  }
  func.func @transform_1(%arg0: i32) -> (i32, i32) {
    %c0_i32 = arith.constant 0 : i32
    %c0_i32_0 = arith.constant 0 : i32
    return %arg0, %c0_i32 : i32, i32
  }
  func.func @transform_2(%arg0: i32) -> (i32, i32) {
    %c0_i32 = arith.constant 0 : i32
    %c0_i32_0 = arith.constant 0 : i32
    %c0_i32_1 = arith.constant 0 : i32
    return %c0_i32, %c0_i32_0 : i32, i32
  }
  func.func @transform_3(%arg0: i32) -> (i32, i32) {
    %c0_i32 = arith.constant 0 : i32
    %c0_i32_0 = arith.constant 0 : i32
    %c0_i32_1 = arith.constant 0 : i32
    return %c0_i32, %c0_i32_0 : i32, i32
  }
  func.func @transform_4(%arg0: i32) -> (i32, i32) {
    %c0_i32 = arith.constant 0 : i32
    %c0_i32_0 = arith.constant 0 : i32
    %c0_i32_1 = arith.constant 0 : i32
    return %c0_i32, %c0_i32_0 : i32, i32
  }
}

module attributes {stable_mosaic.version = 14 : i64} {
  func.func @_dedup_zq_body(%arg0: i32, %arg1: memref<1024x1xi32, #tpu.memory_space<vmem>>, %arg2: memref<1x1024xi32, #tpu.memory_space<vmem>>, %arg3: memref<1024x320xf32, #tpu.memory_space<vmem>>, %arg4: memref<1024x1xi32, #tpu.memory_space<vmem>>, %arg5: memref<1024x49xi32, #tpu.memory_space<vmem>>, %arg6: memref<1024x49xi32, #tpu.memory_space<vmem>>, %arg7: memref<1024x320xf32, #tpu.memory_space<vmem>>, %arg8: memref<1024x320xf32, #tpu.memory_space<vmem>>) attributes {dimension_semantics = [#tpu.dimension_semantics<arbitrary>], iteration_bounds = array<i64: 8>, scalar_prefetch = 0 : i64, scratch_operands = 1 : i64, tpu.core_type = #tpu.core_type<tc>, window_params = [{pipeline_mode = #tpu.pipeline_mode<synchronous>, transform_indices = @transform_0, window_bounds = array<i64: 1024, 1>}, {pipeline_mode = #tpu.pipeline_mode<synchronous>, transform_indices = @transform_1, window_bounds = array<i64: 1, 1024>}, {transform_indices = @transform_2, window_bounds = array<i64: 1024, 320>}, {pipeline_mode = #tpu.pipeline_mode<synchronous>, transform_indices = @transform_3, window_bounds = array<i64: 1024, 1>}, {pipeline_mode = #tpu.pipeline_mode<synchronous>, transform_indices = @transform_4, window_bounds = array<i64: 1024, 49>}, {pipeline_mode = #tpu.pipeline_mode<synchronous>, transform_indices = @transform_5, window_bounds = array<i64: 1024, 49>}, {pipeline_mode = #tpu.pipeline_mode<synchronous>, transform_indices = @transform_6, window_bounds = array<i64: 1024, 320>}]} {
    %eq3A = arith.constant 0 : i32
    %eq3A_0 = arith.cmpi eq, %arg0, %eq3A : i32
    %convert_element_type3A = arith.extui %eq3A_0 : i1 to i32
    %cond3A = arith.constant 0 : i32
    %cond3A_1 = arith.cmpi ne, %convert_element_type3A, %cond3A : i32
    scf.if %cond3A_1 {
      %iota3A_28 = tpu.iota {dimensions = array<i32: 1>} : vector<1024x1024xi32>
      %get3A_29 = arith.constant 0 : index
      %get3A_30 = arith.constant 0 : index
      %get3A_31 = vector.load %arg1[%get3A_29, %get3A_30] : memref<1024x1xi32, #tpu.memory_space<vmem>>, vector<1024x1xi32>
      %get3A_32 = arith.constant 0 : index
      %get3A_33 = arith.constant 0 : index
      %get3A_34 = vector.load %arg2[%get3A_32, %get3A_33] : memref<1x1024xi32, #tpu.memory_space<vmem>>, vector<1x1024xi32>
      %eq3A_35 = vector.broadcast %get3A_31 : vector<1024x1xi32> to vector<1024x1024xi32>
      %eq3A_36 = vector.broadcast %get3A_34 : vector<1x1024xi32> to vector<1024x1024xi32>
      %eq3A_37 = arith.cmpi eq, %eq3A_35, %eq3A_36 : vector<1024x1024xi32>
      %jit3A = arith.constant -1 : i32
      %broadcast_in_dim3A = vector.broadcast %jit3A : i32 to vector<1024x1024xi32>
      %select_n3A = arith.select %eq3A_37, %iota3A_28, %broadcast_in_dim3A : vector<1024x1024xi1>, vector<1024x1024xi32>
      %reduce_max3A = arith.constant dense<-2147483648> : vector<1024xi32>
      %reduce_max3A_38 = vector.multi_reduction <maxsi>, %select_n3A, %reduce_max3A [1] : vector<1024x1024xi32> to vector<1024xi32>
      %broadcast_in_dim3A_39 = vector.shape_cast %reduce_max3A_38 : vector<1024xi32> to vector<1024x1xi32>
      %swap3A_40 = arith.constant 0 : index
      %swap3A_41 = arith.constant 0 : index
      %swap3A_42 = vector.load %arg4[%swap3A_40, %swap3A_41] : memref<1024x1xi32, #tpu.memory_space<vmem>>, vector<1024x1xi32>
      tpu.vector_store %arg4[%swap3A_40, %swap3A_41], %broadcast_in_dim3A_39 {strides = array<i32>} : memref<1024x1xi32, #tpu.memory_space<vmem>>, vector<1024x1xi32>,
      %broadcast_in_dim3A_43 = arith.constant 0.000000e+00 : f32
      %broadcast_in_dim3A_44 = vector.broadcast %broadcast_in_dim3A_43 : f32 to vector<1024x320xf32>
      %swap3A_45 = arith.constant 0 : index
      %swap3A_46 = arith.constant 0 : index
      %swap3A_47 = vector.load %arg8[%swap3A_45, %swap3A_46] : memref<1024x320xf32, #tpu.memory_space<vmem>>, vector<1024x320xf32>
      tpu.vector_store %arg8[%swap3A_45, %swap3A_46], %broadcast_in_dim3A_44 {strides = array<i32>} : memref<1024x320xf32, #tpu.memory_space<vmem>>, vector<1024x320xf32>,
      %iota3A_48 = tpu.iota {dimensions = array<i32: 1>} : vector<1024x49xi32>
      %get3A_49 = arith.constant 0 : index
      %get3A_50 = arith.constant 0 : index
      %get3A_51 = vector.load %arg1[%get3A_49, %get3A_50] : memref<1024x1xi32, #tpu.memory_space<vmem>>, vector<1024x1xi32>
      %mul3A_52 = arith.constant 8192 : i32
      %mul3A_53 = vector.broadcast %mul3A_52 : i32 to vector<1024x49xi32>
      %mul3A_54 = arith.muli %iota3A_48, %mul3A_53 : vector<1024x49xi32>
      %add3A_55 = vector.broadcast %get3A_51 : vector<1024x1xi32> to vector<1024x49xi32>
      %add3A_56 = arith.addi %add3A_55, %mul3A_54 : vector<1024x49xi32>
      %swap3A_57 = arith.constant 0 : index
      %swap3A_58 = arith.constant 0 : index
      %swap3A_59 = vector.load %arg5[%swap3A_57, %swap3A_58] : memref<1024x49xi32, #tpu.memory_space<vmem>>, vector<1024x49xi32>
      tpu.vector_store %arg5[%swap3A_57, %swap3A_58], %add3A_56 {strides = array<i32>} : memref<1024x49xi32, #tpu.memory_space<vmem>>, vector<1024x49xi32>,
      %mul3A_60 = arith.constant 1024 : i32
      %mul3A_61 = vector.broadcast %mul3A_60 : i32 to vector<1024x49xi32>
      %mul3A_62 = arith.muli %iota3A_48, %mul3A_61 : vector<1024x49xi32>
      %add3A_63 = vector.broadcast %broadcast_in_dim3A_39 : vector<1024x1xi32> to vector<1024x49xi32>
      %add3A_64 = arith.addi %add3A_63, %mul3A_62 : vector<1024x49xi32>
      %swap3A_65 = arith.constant 0 : index
      %swap3A_66 = arith.constant 0 : index
      %swap3A_67 = vector.load %arg6[%swap3A_65, %swap3A_66] : memref<1024x49xi32, #tpu.memory_space<vmem>>, vector<1024x49xi32>
      tpu.vector_store %arg6[%swap3A_65, %swap3A_66], %add3A_64 {strides = array<i32>} : memref<1024x49xi32, #tpu.memory_space<vmem>>, vector<1024x49xi32>,
    } else {
    }
    %iota3A = tpu.iota {dimensions = array<i32: 1>} : vector<1x1024xi32>
    %mul3A = arith.constant 1024 : i32
    %mul3A_2 = arith.muli %arg0, %mul3A : i32
    %add3A = vector.broadcast %mul3A_2 : i32 to vector<1x1024xi32>
    %add3A_3 = arith.addi %iota3A, %add3A : vector<1x1024xi32>
    %get3A = arith.constant 0 : index
    %get3A_4 = arith.constant 0 : index
    %get3A_5 = vector.load %arg1[%get3A, %get3A_4] : memref<1024x1xi32, #tpu.memory_space<vmem>>, vector<1024x1xi32>
    %eq3A_6 = vector.broadcast %get3A_5 : vector<1024x1xi32> to vector<1024x1024xi32>
    %eq3A_7 = vector.broadcast %add3A_3 : vector<1x1024xi32> to vector<1024x1024xi32>
    %eq3A_8 = arith.cmpi eq, %eq3A_6, %eq3A_7 : vector<1024x1024xi32>
    %convert_element_type3A_9 = arith.extui %eq3A_8 : vector<1024x1024xi1> to vector<1024x1024xi32>
    %convert_element_type3A_10 = arith.sitofp %convert_element_type3A_9 : vector<1024x1024xi32> to vector<1024x1024xf32>
    %convert_element_type3A_11 = arith.truncf %convert_element_type3A_10 : vector<1024x1024xf32> to vector<1024x1024xbf16>
    %get3A_12 = arith.constant 0 : index
    %get3A_13 = arith.constant 0 : index
    %get3A_14 = vector.load %arg3[%get3A_12, %get3A_13] : memref<1024x320xf32, #tpu.memory_space<vmem>>, vector<1024x320xf32>
    %convert_element_type3A_15 = arith.truncf %get3A_14 : vector<1024x320xf32> to vector<1024x320xbf16>
    %get3A_16 = arith.constant 0 : index
    %get3A_17 = arith.constant 0 : index
    %get3A_18 = vector.load %arg8[%get3A_16, %get3A_17] : memref<1024x320xf32, #tpu.memory_space<vmem>>, vector<1024x320xf32>
    %dot_general3A = arith.constant dense<0.000000e+00> : vector<1024x320xf32>
    %dot_general3A_19 = tpu.matmul %convert_element_type3A_11, %convert_element_type3A_15, %dot_general3A {dimension_numbers = #tpu.dot_dimension_numbers<[1], [0], [0], [1], [0, 0, 1, 1], [], []>, transpose_lhs_hint = false} : vector<1024x1024xbf16>, vector<1024x320xbf16>, vector<1024x320xf32> -> vector<1024x320xf32>
    %add3A_20 = arith.addf %get3A_18, %dot_general3A_19 : vector<1024x320xf32>
    %swap3A = arith.constant 0 : index
    %swap3A_21 = arith.constant 0 : index
    %swap3A_22 = vector.load %arg8[%swap3A, %swap3A_21] : memref<1024x320xf32, #tpu.memory_space<vmem>>, vector<1024x320xf32>
    tpu.vector_store %arg8[%swap3A, %swap3A_21], %add3A_20 {strides = array<i32>} : memref<1024x320xf32, #tpu.memory_space<vmem>>, vector<1024x320xf32>,
    %eq3A_23 = arith.constant 7 : i32
    %eq3A_24 = arith.cmpi eq, %arg0, %eq3A_23 : i32
    %convert_element_type3A_25 = arith.extui %eq3A_24 : i1 to i32
    %cond3A_26 = arith.constant 0 : i32
    %cond3A_27 = arith.cmpi ne, %convert_element_type3A_25, %cond3A_26 : i32
    scf.if %cond3A_27 {
      %get3A_28 = arith.constant 0 : index
      %get3A_29 = arith.constant 0 : index
      %get3A_30 = vector.load %arg8[%get3A_28, %get3A_29] : memref<1024x320xf32, #tpu.memory_space<vmem>>, vector<1024x320xf32>
      %swap3A_31 = arith.constant 0 : index
      %swap3A_32 = arith.constant 0 : index
      %swap3A_33 = vector.load %arg7[%swap3A_31, %swap3A_32] : memref<1024x320xf32, #tpu.memory_space<vmem>>, vector<1024x320xf32>
      tpu.vector_store %arg7[%swap3A_31, %swap3A_32], %get3A_30 {strides = array<i32>} : memref<1024x320xf32, #tpu.memory_space<vmem>>, vector<1024x320xf32>,
    } else {
    }
    return
  }
  func.func @transform_0(%arg0: i32) -> (i32, i32) {
    %c0_i32 = arith.constant 0 : i32
    %c0_i32_0 = arith.constant 0 : i32
    %c0_i32_1 = arith.constant 0 : i32
    return %c0_i32, %c0_i32_0 : i32, i32
  }
  func.func @transform_1(%arg0: i32) -> (i32, i32) {
    %c0_i32 = arith.constant 0 : i32
    %c0_i32_0 = arith.constant 0 : i32
    %c0_i32_1 = arith.constant 0 : i32
    return %c0_i32, %c0_i32_0 : i32, i32
  }
  func.func @transform_2(%arg0: i32) -> (i32, i32) {
    %c0_i32 = arith.constant 0 : i32
    %c0_i32_0 = arith.constant 0 : i32
    return %arg0, %c0_i32 : i32, i32
  }
  func.func @transform_3(%arg0: i32) -> (i32, i32) {
    %c0_i32 = arith.constant 0 : i32
    %c0_i32_0 = arith.constant 0 : i32
    %c0_i32_1 = arith.constant 0 : i32
    return %c0_i32, %c0_i32_0 : i32, i32
  }
  func.func @transform_4(%arg0: i32) -> (i32, i32) {
    %c0_i32 = arith.constant 0 : i32
    %c0_i32_0 = arith.constant 0 : i32
    %c0_i32_1 = arith.constant 0 : i32
    return %c0_i32, %c0_i32_0 : i32, i32
  }
  func.func @transform_5(%arg0: i32) -> (i32, i32) {
    %c0_i32 = arith.constant 0 : i32
    %c0_i32_0 = arith.constant 0 : i32
    %c0_i32_1 = arith.constant 0 : i32
    return %c0_i32, %c0_i32_0 : i32, i32
  }
  func.func @transform_6(%arg0: i32) -> (i32, i32) {
    %c0_i32 = arith.constant 0 : i32
    %c0_i32_0 = arith.constant 0 : i32
    %c0_i32_1 = arith.constant 0 : i32
    return %c0_i32, %c0_i32_0 : i32, i32
  }
}

</mosaic_0001>

<sc_bundles>
// kernel: kernel.5.cloned.1.call-start
scs
__scs_entry_jumppad:
0x0: {  	(pc) =	sbr.rel $0x88, $3  }
0x1: {  	(tag) =	ssettag $0x0;
	lr =	simm.s32 $0x1  }
0x2: {  	[smem:$0x3F9D] =	sst lr;
	_ =	strace $0xD0000000  }
0x3: {  	_ = 	snop  }
0x4: {  	_ = 	snop  }
0x5: {  	_ = 	snop  }
0x6: {  	_ = 	snop  }
0x7: {  	_ = 	snop  }
__scs_overlays_trampoline_lowered:
0x8: {  	[smem:$0x3FAC] =	sst s0  }
0x9: {  	[smem:$0x3FAD] =	sst s1  }
0xa: {  	[smem:$0x3FAE] =	sst s2  }
0xb: {  	[smem:$0x3FAF] =	sst s3  }
0xc: {  	[smem:$0x3FB0] =	sst s4  }
0xd: {  	[smem:$0x3FB1] =	sst s5  }
0xe: {  	[smem:$0x3FB2] =	sst s6  }
0xf: {  	[smem:$0x3FB3] =	sst s7  }
0x10: {  	[smem:$0x3FB4] =	sst s8  }
0x11: {  	[smem:$0x3FB5] =	sst s9;
	s0 =	simm.s32 @!p0 $0x0  }
0x12: {  	s1 =	sld [smem:$0x3F9B];
	s0 =	simm.s32 @p0 $0x1  }
0x13: {  	[smem:$0x3FB6] =	sst s0;
	s0 =	simm.s32 @!p1 $0x0  }
0x14: {  	s2 =	sld [smem:$0x3F9A];
	s0 =	simm.s32 @p1 $0x1  }
0x15: {  	[smem:$0x3FB7] =	sst s0;
	s0 =	simm.s32 @!p2 $0x0  }
0x16: {  	s3 =	sld [smem:$0x3FDB];
	s0 =	simm.s32 @p2 $0x1  }
0x17: {  	s4 =	simm.s32 $0x1BF5;
	[smem:$0x3FB9] =	sst s0  }
0x18: {  	s0 =	sld [smem:$0x3F9C];
	_ =	swait.ge [sflag:s4], $0x0  }
0x19: {  	s7 =	sld [smem:$0x3F9D]  }
0x1a: {  	s8 =	sadd.s32 $0xFFFFE003, lr  }
0x1b: {  	s9 =	sadd.s32 $0xFFFFFEF7, lr;
	s5 =	simm.s32 $0xFFFFFFFF;
	p2 =	slt.u32 s8, $0xFFFFF086  }
0x1c: {  	p1 =	slt.u32 s9, $0xF7A;
	s5 =	simm.s32 @!p2 $0x0  }
0x1d: {  	s5 =	simm.s32 @p1 $0x1;
	p0 =	seq.s32 s7, s2  }
0x1e: {  	s7 =	smul.u32 @!p0 $0xF7A, s2;
	p2 =	seq.s32 @!p0 s5, $0x0  }
0x1f: {  	s9 =	smul.u32 $0xF7A, s1;
	s8 =	simm.s32 @!p0 $0x1BF5;
	p2 =	por !p2, p0  }
0x20: {  	[sflag:s8] =	ssyncset.s32 @!p0 $0xFFFFF086;
	s6 =	sadd.s32 @!p0 s3, s7;
	s7 =	simm.s32 @!p0 $0x108  }
0x21: {  	s3 =	sadd.s32 s3, s9;
	s6 =	sadd.s32 @!p0 $0x88, s6;
	s7 =	simm.s32 @p2 $0x1082  }
0x22: {  	[simem:s7], [sflag:s8] =	dma.local @!p0 [hbm:s6], $0xF7A  }
0x23: {  	s9 =	sor.u32 $0xD0000000, s2;
	s6 =	simm.s32 $0x108;
	_ =	swait.ge @!p0 [sflag:s8], $0x0  }
0x24: {  	s3 =	sadd.s32 $0x88, s3;
	s6 =	simm.s32 @!p1 $0x1082;
	[sflag:s4] =	ssyncset.s32 $0xFFFFF086  }
0x25: {  	[simem:s6], [sflag:s4] =	dma.local [hbm:s3], $0xF7A  }
0x26: {  	[smem:$0x3F9D] =	sst s1;
	(tag) =	ssettag s2;
	_ =	strace s9  }
0x27: {  	s1 =	sld [smem:$0x3FAD]  }
0x28: {  	s2 =	sld [smem:$0x3FAE]  }
0x29: {  	s4 =	sld [smem:$0x3FB0]  }
0x2a: {  	p0 =	seq.s32 s5, $0x0;
	s5 =	sld [smem:$0x3FB1]  }
0x2b: {  	s6 =	sld [smem:$0x3FB2]  }
0x2c: {  	s7 =	sld [smem:$0x3FB3]  }
0x2d: {  	s3 =	simm.s32 $0x108;
	s8 =	sld [smem:$0x3FB4]  }
0x2e: {  	s3 =	simm.s32 @!p0 $0x1082;
	s9 =	sld [smem:$0x3FB5]  }
0x2f: {  	lr =	sadd.s32 s0, s3;
	s0 =	sld [smem:$0x3FAC]  }
0x30: {  	s3 =	sld [smem:$0x3FAF]  }
0x31: {  	[smem:$0x3FB8] =	sst s10  }
0x32: {  	s10 =	sld [smem:$0x3FB6];
	_ =	sdelay $0x3  }
0x33: {  	p0 =	seq.s32 s10, $0x1;
	s10 =	sld [smem:$0x3FB8];
	_ =	sdelay $0x3  }
0x34: {  	[smem:$0x3FB8] =	sst s10  }
0x35: {  	s10 =	sld [smem:$0x3FB7];
	_ =	sdelay $0x3  }
0x36: {  	p1 =	seq.s32 s10, $0x1;
	s10 =	sld [smem:$0x3FB8];
	_ =	sdelay $0x3  }
0x37: {  	[smem:$0x3FB8] =	sst s10  }
0x38: {  	s10 =	sld [smem:$0x3FB9]  }
0x39: {  	_ = 	snop;
	(pc) =	sbr.ind lr, $3  }
0x3a: {  	_ = 	snop  }
0x3b: {  	_ = 	snop  }
0x3c: {  	p2 =	seq.s32 s10, $0x1;
	s10 =	sld [smem:$0x3FB8]  }
0x3d: {  	_ =	shalt  }
0x3e: {  	_ =	shalt  }
0x3f: {  	_ =	shalt  }
0x40: {  	_ =	shalt  }
0x41: {  	_ =	shalt  }
0x42: {  	_ =	shalt  }
0x43: {  	_ =	shalt  }
0x44: {  	_ =	shalt  }
0x45: {  	_ =	shalt  }
0x46: {  	_ =	shalt  }
0x47: {  	_ =	shalt  }
0x48: {  	_ =	shalt  }
0x49: {  	_ =	shalt  }
0x4a: {  	_ =	shalt  }
0x4b: {  	_ =	shalt  }
0x4c: {  	_ =	shalt  }
0x4d: {  	_ =	shalt  }
0x4e: {  	_ =	shalt  }
0x4f: {  	_ =	shalt  }
0x50: {  	_ =	shalt  }
0x51: {  	_ =	shalt  }
0x52: {  	_ =	shalt  }
0x53: {  	_ =	shalt  }
0x54: {  	_ =	shalt  }
0x55: {  	_ =	shalt  }
0x56: {  	_ =	shalt  }
0x57: {  	_ =	shalt  }
0x58: {  	_ =	shalt  }
0x59: {  	_ =	shalt  }
0x5a: {  	_ =	shalt  }
0x5b: {  	_ =	shalt  }
0x5c: {  	_ =	shalt  }
0x5d: {  	_ =	shalt  }
0x5e: {  	_ =	shalt  }
0x5f: {  	_ =	shalt  }
0x60: {  	_ =	shalt  }
0x61: {  	_ =	shalt  }
0x62: {  	_ =	shalt  }
0x63: {  	_ =	shalt  }
0x64: {  	_ =	shalt  }
0x65: {  	_ =	shalt  }
0x66: {  	_ =	shalt  }
0x67: {  	_ =	shalt  }
0x68: {  	_ =	shalt  }
0x69: {  	_ =	shalt  }
0x6a: {  	_ =	shalt  }
0x6b: {  	_ =	shalt  }
0x6c: {  	_ =	shalt  }
0x6d: {  	_ =	shalt  }
0x6e: {  	_ =	shalt  }
0x6f: {  	_ =	shalt  }
0x70: {  	_ =	shalt  }
0x71: {  	_ =	shalt  }
0x72: {  	_ =	shalt  }
0x73: {  	_ =	shalt  }
0x74: {  	_ =	shalt  }
0x75: {  	_ =	shalt  }
0x76: {  	_ =	shalt  }
0x77: {  	_ =	shalt  }
0x78: {  	_ =	shalt  }
0x79: {  	_ =	shalt  }
0x7a: {  	_ =	shalt  }
0x7b: {  	_ =	shalt  }
0x7c: {  	_ =	shalt  }
0x7d: {  	_ =	shalt  }
0x7e: {  	_ =	shalt  }
0x7f: {  	_ =	shalt  }
0x80: {  	_ =	shalt  }
0x81: {  	_ =	shalt  }
0x82: {  	_ =	shalt  }
0x83: {  	_ =	shalt  }
0x84: {  	_ =	shalt  }
0x85: {  	_ =	shalt  }
0x86: {  	_ =	shalt  }
0x87: {  	_ =	shalt  }
.Lfunc_end0:
.L_simem_size_0:
called_computation_lowered:
.L_overlay_start_0:
0x88: {  	s2 =	sld [smem:$0x3FD9]  }
0x89: {  	s3 =	sld [smem:$0x3FFE];
	_ =	sdelay $0x1  }
0x8a: {  	s1 =	srdreg.scid  }
0x8b: {  	s0 =	sand.u32 $0x1, s1  }
0x8c: {  	s14 =	sshll.u32 s0, $0xA;
	s2 =	sadd.s32 s3, s2  }
0x8d: {  	s2 =	sadd.s32 s2, s14  }
0x8e: {  	[smem:$0x3FC4] =	sst s2  }
0x8f: {  	_ = 	snop  }
0x90: {  	s2 =	sld [smem:$0x3FD0];
	_ =	sdelay $0x2  }
0x91: {  	s4 =	simm.s32 $0xA;
	s5 =	simm.s32 $0x10;
	s15 =	sld [smem:$0x3FC8]  }
0x92: {  	[smem:s5], [sflag:s4] =	dma.local [hbm:s2], $0x1  }
0x93: {  	_ =	swait.eq [sflag:s4], $0x1  }
0x94: {  	[sflag:s4] =	ssyncset.done $0x0  }
0x95: {  	[sflag:s4] =	ssyncadd.s32 $0xFFFFFFFF  }
0x96: {  	s16 =	sld [smem:$0x12];
	(tm) =	ssettm $0x1  }
0x97: {  	s17 =	sld [smem:$0x3FFB];
	_ =	sdelay $0x3  }
0x98: {  	_ =	strace s17  }
0x99: {  	s4 =	sld [smem:$0x3FFC];
	_ =	sdelay $0x3  }
0x9a: {  	_ =	strace s4  }
0x9b: {  	s4 =	sld [smem:$0x3FFD];
	_ =	sdelay $0x3  }
0x9c: {  	_ =	strace s4  }
0x9d: {  	_ =	strace $0x8FFFFFFF  }
0x9e: {  	s18 =	sld [smem:$0x3FDB];
	_ =	sdelay $0x1  }
0x9f: {  	s19 =	simm.s32 $_scs_section_size  }
0xa0: {  	s6 =	simm.s32 $_size__tile_overlayer_lowered;
	s7 =	simm.s32 $_tile_overlayer_lowered  }
0xa1: {  	s22 =	simm.s32 $0x1BFF;
	s21 =	sshll.u32 s7, $0x1;
	s4 =	sadd.s32 s19, s18  }
0xa2: {  	s8 =	simm.s32 $0x0;
	s20 =	sshll.u32 s6, $0x1;
	s6 =	sadd.s32 s21, s4  }
0xa3: {  	[timem:s8], [sflag:s22] =	dma.local [hbm:s6], s20  }
0xa4: {  	_ =	swait.ge [sflag:s22], s20  }
0xa5: {  	s5 =	ssub.s32 $0x0, s20;
	[sflag:s22] =	ssyncset.done $0x0  }
0xa6: {  	[sflag:s22] =	ssyncadd.s32 s5;
	_ =	sdelay $0x1  }
0xa7: {  	s23 =	simm.s32 $0x1B8B  }
0xa8: {  	_ =	swait.ge [sflag:s23], $0x1  }
0xa9: {  	[sflag:s23] =	ssyncset.done $0x0  }
0xaa: {  	s25 =	simm.s32 $0x1B8E;
	s24 =	sld [smem:$0x3FFE];
	[sflag:s23] =	ssyncadd.s32 $0xFFFFFFFF  }
0xab: {  	s26 =	simm.s32 $execute0_lowered;
	[smem:$0x3FD2] =	sst s25  }
0xac: {  	s6 =	sshll.u32 s26, $0x1;
	_ =	strace $0x80000046;
	[dreg:$0x1] =	wrdreg $0xFFFFFFFF  }
0xad: {  	s28 =	simm.s32 $_size_execute0_lowered;
	s4 =	sadd.s32 s4, s6;
	[dreg:$0x0] =	wrdreg $0x0  }
0xae: {  	s6 =	sshll.u32 s28, $0x1;
	[dreg:$0x2] =	wrdreg s4  }
0xaf: {  	[dreg:$0x3] =	wrdreg s6  }
0xb0: {  	[dreg:$0x4] =	wrdreg $0xC0  }
0xb1: {  	_ =	task [dreg:s8], $0x5FFFF  }
0xb2: {  	[dreg:$0x1] =	wrdreg $0xFFFFFFFF  }
0xb3: {  	[dreg:$0x0] =	wrdreg $0x60  }
0xb4: {  	[dreg:$0x2] =	wrdreg s24  }
0xb5: {  	[dreg:$0x3] =	wrdreg s15  }
0xb6: {  	[dreg:$0x4] =	wrdreg s16  }
0xb7: {  	[dreg:$0x5] =	wrdreg $0x9  }
0xb8: {  	_ =	task.clear_ibuf [dreg:s8], $0x6FFFF;
	_ =	strace $0x90000046  }
0xb9: {  	s29 =	simm.s32 $0x9;
	_ =	strace $0x80000048  }
0xba: {  	_ =	swait.ge [sflag:s29], $0x1  }
0xbb: {  	[sflag:s29] =	ssyncadd.s32 $0xFFFFFFFF  }
0xbc: {  	_ =	strace $0x90000048  }
0xbd: {  	_ =	sfence  }
0xbe: {  	s30 =	sld [smem:$0x0];
	_ =	sdelay $0x2  }
0xbf: {  	s31 =	sshll.u32 s1, $0xD;
	s1 =	sshrl.u32 s1, $0x2  }
0xc0: {  	s3 =	sand.u32 $0x4000, s31;
	s1 =	sadd.s32 s1, s30  }
0xc1: {  	s0 =	sor.u32 s3, s0;
	s1 =	sshll.u32 s1, $0x11  }
0xc2: {  	s0 =	sor.u32 s1, s0  }
0xc3: {  	s0 =	sadd.s32 $0x8F2B, s0  }
0xc4: {  	[sflag:s0] =	ssyncadd.remote.s32 $0x1  }
0xc5: {  	_ =	sfence.sel $0xFFFF  }
0xc6: {  	[dreg:$0x0] =	wrdreg $0xFFFFFFFF;
	(pc) =	sbr.abs _section_cstart, $3  }
0xc7: {  	[dreg:$0x1] =	wrdreg $0xFFFFFFFF  }
0xc8: {  	_ =	task.clear_ibuf [dreg:s8], $0x2FFFF;
	_ =	strace $0x9FFFFFFF  }
0xc9: {  	(tm) =	ssettm $0x7FFFFFFF  }
tec
execute0_lowered:
.L_overlay_start_1:
0x0: {  	(tag) =	ssettag $0x1  }
0x1: {  	s1 =	rddreg [dreg:$0x0]  }
0x2: {  	s2 =	srdreg.scid;
	s3 =	rddreg [dreg:$0x1]  }
0x3: {  	s29 =	simm.s32 $0x0;
	s4 =	sand.u32 $0x1, s2;
	s2 =	rddreg [dreg:$0x2]  }
0x4: {  	s13 =	simm.s32 $0x880;
	[smem:$0x7FF] =	sst s29  }
0x5: {  	s15 =	simm.s32 $0x900;
	_ =	strace $0x80000047;
	[dreg:$0x6] =	wrdreg s13  }
0x6: {  	s0 =	stileid.u32;
	s16 =	simm.s32 $0x80;
	[dreg:$0x7] =	wrdreg s15  }
0x7: {  	s17 =	simm.s32 $0x980;
	s30 =	simm.s32 $0x5;
	[dreg:$0x8] =	wrdreg s16  }
0x8: {  	s18 =	simm.s32 $0x100;
	s31 =	simm.s32 $0x800;
	[dreg:$0x9] =	wrdreg s17  }
0x9: {  	s19 =	simm.s32 $0xA00;
	s20 =	simm.s32 $0x180;
	[dreg:$0xa] =	wrdreg s18  }
0xa: {  	s21 =	simm.s32 $0xA80;
	s22 =	simm.s32 $0x200;
	[dreg:$0xb] =	wrdreg s19  }
0xb: {  	s9 =	simm.s32 $0x1;
	s23 =	simm.s32 $0xB00;
	[dreg:$0xc] =	wrdreg s20  }
0xc: {  	s7 =	simm.s32 $0x3;
	s24 =	simm.s32 $0x280;
	[dreg:$0xd] =	wrdreg s21  }
0xd: {  	s10 =	simm.s32 $0x2;
	s25 =	simm.s32 $0xB80;
	[dreg:$0xe] =	wrdreg s22  }
0xe: {  	s8 =	simm.s32 $0x4;
	s26 =	simm.s32 $0x300;
	[dreg:$0xf] =	wrdreg s23  }
0xf: {  	s28 =	simm.s32 $0xC00;
	p0 =	por $0x0, $0x0;
	[dreg:$0x10] =	wrdreg s24  }
0x10: {  	s12 =	simm.s32 $0x700;
	s5 =	sshll.u32 s0, $0x9;
	[dreg:$0x11] =	wrdreg s25  }
0x11: {  	s6 =	sshll.u32 s4, $0x8;
	s4 =	ssub.s32 $0x2, s4;
	[dreg:$0x12] =	wrdreg s26  }
0x12: {  	s26 =	simm.s32 $0x380;
	s25 =	simm.s32 $0xC80;
	s24 =	simm.s32 $0x400  }
0x13: {  	s23 =	simm.s32 $0xD00;
	s22 =	simm.s32 $0x480;
	s14 =	sshrl.u32 s4, $0x1  }
0x14: {  	s21 =	simm.s32 $0xD80;
	s20 =	simm.s32 $0x500;
	s4 =	ssub.s32 s4, s14  }
0x15: {  	s19 =	simm.s32 $0xE00;
	s18 =	simm.s32 $0x580;
	s11 =	smax.u32 s4, $0x1  }
0x16: {  	s16 =	simm.s32 $0xE80;
	s5 =	sor.u32 s6, s5;
	p1 =	sne.s32 s11, $0x1  }
.Ltmp0:
0x17: {  	s17 =	simm.s32 $0x600;
	s1 =	sadd.s32 s5, s1;
	(pc) =	sbr.rel @!p1 .LBB2_3-.Ltmp0, $4  }
0x18: {  	s15 =	simm.s32 $0xF00;
	s13 =	simm.s32 $0xF80;
	s5 =	sadd.s32 $0x2E00, s1  }
0x19: {  	s6 =	simm.s32 $0x1000;
	s1 =	sadd.s32 $0xE00, s1;
	[dreg:$0x4] =	wrdreg s5  }
0x1a: {  	s14 =	simm.s32 $0x680;
	s4 =	simm.s32 $0x62;
	[dreg:$0x5] =	wrdreg s1  }
0x1b: {  	s5 =	simm.s32 $0x4400;
	s1 =	sadd.s32 $0xFFFFFFFF, s11;
	s11 =	simm.s32 $0x780  }
0x1c: {  	s0 =	rddreg [dreg:$0x4]  }
0x1d: {  	[tilespmem:s29], [sflag:$0x5] =	stream.linear.gather [hbm4b:s0+s29], $0x800, $0x38;
	[tilespmem:$0x7800] =	vst v63  }
0x1e: {  	_ =	swait.ge [sflag:s30], $0x800  }
0x1f: {  	[sflag:s30] =	ssyncset.done $0x0  }
0x20: {  	s0 =	rddreg [dreg:$0x5];
	[sflag:s30] =	ssyncadd.s32 $0xFFFFF800  }
0x21: {  	[tilespmem:s31], [sflag:$0x5] =	stream.linear.gather [hbm4b:s0+s29], $0x800, $0x38;
	[tilespmem:$0x7800] =	vst v63  }
0x22: {  	_ =	swait.ge [sflag:s30], $0x800  }
0x23: {  	[sflag:s30] =	ssyncset.done $0x0  }
0x24: {  	[sflag:s30] =	ssyncadd.s32 $0xFFFFF800  }
0x25: {  	[tilespmem:s6], [sflag:$0x1] =	stream.indirect.gather [hbm4b:s3+s4], $0x80, s31, s4, $0xb8;
	[tilespmem:$0x7800] =	vst v63  }
0x26: {  	s0 =	rddreg [dreg:$0x6]  }
0x27: {  	[tilespmem:s5], [sflag:$0x2] =	stream.indirect.gather [hbm4b:s3+s4], $0x80, s0, s4, $0xb8;
	[tilespmem:$0x7800] =	vst v63  }
0x28: {  	_ =	swait.ge [sflag:s9], $0x3100  }
0x29: {  	[sflag:s9] =	ssyncset.done $0x0  }
0x2a: {  	[sflag:s9] =	ssyncadd.s32 $0xFFFFCF00  }
0x2b: {  	[hbm4b:s2+s4] =	stream.indirect.scatter [tilespmem:s6], [sflag:$0x3], $0x80, s29, s4, $0xb8;
	[tilespmem:$0x7800] =	vst v63  }
0x2c: {  	_ =	swait.ge [sflag:s7], $0x3100  }
0x2d: {  	[sflag:s7] =	ssyncset.done $0x0  }
0x2e: {  	s0 =	rddreg [dreg:$0x7];
	[sflag:s7] =	ssyncadd.s32 $0xFFFFCF00  }
0x2f: {  	[tilespmem:s6], [sflag:$0x1] =	stream.indirect.gather [hbm4b:s3+s4], $0x80, s0, s4, $0xb8;
	[tilespmem:$0x7800] =	vst v63  }
0x30: {  	_ =	swait.ge [sflag:s10], $0x3100  }
0x31: {  	[sflag:s10] =	ssyncset.done $0x0  }
0x32: {  	s0 =	rddreg [dreg:$0x8];
	[sflag:s10] =	ssyncadd.s32 $0xFFFFCF00  }
0x33: {  	[hbm4b:s2+s4] =	stream.indirect.scatter [tilespmem:s5], [sflag:$0x4], $0x80, s0, s4, $0xb8;
	[tilespmem:$0x7800] =	vst v63  }
0x34: {  	_ =	swait.ge [sflag:s8], $0x3100  }
0x35: {  	[sflag:s8] =	ssyncset.done $0x0  }
0x36: {  	s0 =	rddreg [dreg:$0x9];
	[sflag:s8] =	ssyncadd.s32 $0xFFFFCF00  }
0x37: {  	[tilespmem:s5], [sflag:$0x2] =	stream.indirect.gather [hbm4b:s3+s4], $0x80, s0, s4, $0xb8;
	[tilespmem:$0x7800] =	vst v63  }
0x38: {  	_ =	swait.ge [sflag:s9], $0x3100  }
0x39: {  	[sflag:s9] =	ssyncset.done $0x0  }
0x3a: {  	s0 =	rddreg [dreg:$0xa];
	[sflag:s9] =	ssyncadd.s32 $0xFFFFCF00  }
0x3b: {  	[hbm4b:s2+s4] =	stream.indirect.scatter [tilespmem:s6], [sflag:$0x3], $0x80, s0, s4, $0xb8;
	[tilespmem:$0x7800] =	vst v63  }
0x3c: {  	_ =	swait.ge [sflag:s7], $0x3100  }
0x3d: {  	[sflag:s7] =	ssyncset.done $0x0  }
0x3e: {  	s0 =	rddreg [dreg:$0xb];
	[sflag:s7] =	ssyncadd.s32 $0xFFFFCF00  }
0x3f: {  	[tilespmem:s6], [sflag:$0x1] =	stream.indirect.gather [hbm4b:s3+s4], $0x80, s0, s4, $0xb8;
	[tilespmem:$0x7800] =	vst v63  }
0x40: {  	_ =	swait.ge [sflag:s10], $0x3100  }
0x41: {  	[sflag:s10] =	ssyncset.done $0x0  }
0x42: {  	s0 =	rddreg [dreg:$0xc];
	[sflag:s10] =	ssyncadd.s32 $0xFFFFCF00  }
0x43: {  	[hbm4b:s2+s4] =	stream.indirect.scatter [tilespmem:s5], [sflag:$0x4], $0x80, s0, s4, $0xb8;
	[tilespmem:$0x7800] =	vst v63  }
0x44: {  	_ =	swait.ge [sflag:s8], $0x3100  }
0x45: {  	[sflag:s8] =	ssyncset.done $0x0  }
0x46: {  	s0 =	rddreg [dreg:$0xd];
	[sflag:s8] =	ssyncadd.s32 $0xFFFFCF00  }
0x47: {  	[tilespmem:s5], [sflag:$0x2] =	stream.indirect.gather [hbm4b:s3+s4], $0x80, s0, s4, $0xb8;
	[tilespmem:$0x7800] =	vst v63  }
0x48: {  	_ =	swait.ge [sflag:s9], $0x3100  }
0x49: {  	[sflag:s9] =	ssyncset.done $0x0  }
0x4a: {  	s0 =	rddreg [dreg:$0xe];
	[sflag:s9] =	ssyncadd.s32 $0xFFFFCF00  }
0x4b: {  	[hbm4b:s2+s4] =	stream.indirect.scatter [tilespmem:s6], [sflag:$0x3], $0x80, s0, s4, $0xb8;
	[tilespmem:$0x7800] =	vst v63  }
0x4c: {  	_ =	swait.ge [sflag:s7], $0x3100  }
0x4d: {  	[sflag:s7] =	ssyncset.done $0x0  }
0x4e: {  	s0 =	rddreg [dreg:$0xf];
	[sflag:s7] =	ssyncadd.s32 $0xFFFFCF00  }
0x4f: {  	[tilespmem:s6], [sflag:$0x1] =	stream.indirect.gather [hbm4b:s3+s4], $0x80, s0, s4, $0xb8;
	[tilespmem:$0x7800] =	vst v63  }
0x50: {  	_ =	swait.ge [sflag:s10], $0x3100  }
0x51: {  	[sflag:s10] =	ssyncset.done $0x0  }
0x52: {  	s0 =	rddreg [dreg:$0x10];
	[sflag:s10] =	ssyncadd.s32 $0xFFFFCF00  }
0x53: {  	[hbm4b:s2+s4] =	stream.indirect.scatter [tilespmem:s5], [sflag:$0x4], $0x80, s0, s4, $0xb8;
	[tilespmem:$0x7800] =	vst v63  }
0x54: {  	_ =	swait.ge [sflag:s8], $0x3100  }
0x55: {  	[sflag:s8] =	ssyncset.done $0x0  }
0x56: {  	s0 =	rddreg [dreg:$0x11];
	[sflag:s8] =	ssyncadd.s32 $0xFFFFCF00  }
0x57: {  	[tilespmem:s5], [sflag:$0x2] =	stream.indirect.gather [hbm4b:s3+s4], $0x80, s0, s4, $0xb8;
	[tilespmem:$0x7800] =	vst v63  }
0x58: {  	_ =	swait.ge [sflag:s9], $0x3100  }
0x59: {  	[sflag:s9] =	ssyncset.done $0x0  }
0x5a: {  	s0 =	rddreg [dreg:$0x12];
	[sflag:s9] =	ssyncadd.s32 $0xFFFFCF00  }
0x5b: {  	[hbm4b:s2+s4] =	stream.indirect.scatter [tilespmem:s6], [sflag:$0x3], $0x80, s0, s4, $0xb8;
	[tilespmem:$0x7800] =	vst v63  }
0x5c: {  	_ =	swait.ge [sflag:s7], $0x3100  }
0x5d: {  	[sflag:s7] =	ssyncset.done $0x0  }
0x5e: {  	[sflag:s7] =	ssyncadd.s32 $0xFFFFCF00  }
0x5f: {  	[tilespmem:s6], [sflag:$0x1] =	stream.indirect.gather [hbm4b:s3+s4], $0x80, s28, s4, $0xb8;
	[tilespmem:$0x7800] =	vst v63  }
0x60: {  	_ =	swait.ge [sflag:s10], $0x3100  }
0x61: {  	[sflag:s10] =	ssyncset.done $0x0  }
0x62: {  	[sflag:s10] =	ssyncadd.s32 $0xFFFFCF00  }
0x63: {  	[hbm4b:s2+s4] =	stream.indirect.scatter [tilespmem:s5], [sflag:$0x4], $0x80, s26, s4, $0xb8;
	[tilespmem:$0x7800] =	vst v63  }
0x64: {  	_ =	swait.ge [sflag:s8], $0x3100  }
0x65: {  	[sflag:s8] =	ssyncset.done $0x0  }
0x66: {  	[sflag:s8] =	ssyncadd.s32 $0xFFFFCF00  }
0x67: {  	[tilespmem:s5], [sflag:$0x2] =	stream.indirect.gather [hbm4b:s3+s4], $0x80, s25, s4, $0xb8;
	[tilespmem:$0x7800] =	vst v63  }
0x68: {  	_ =	swait.ge [sflag:s9], $0x3100  }
0x69: {  	[sflag:s9] =	ssyncset.done $0x0  }
0x6a: {  	[sflag:s9] =	ssyncadd.s32 $0xFFFFCF00  }
0x6b: {  	[hbm4b:s2+s4] =	stream.indirect.scatter [tilespmem:s6], [sflag:$0x3], $0x80, s24, s4, $0xb8;
	[tilespmem:$0x7800] =	vst v63  }
0x6c: {  	_ =	swait.ge [sflag:s7], $0x3100  }
0x6d: {  	[sflag:s7] =	ssyncset.done $0x0  }
0x6e: {  	[sflag:s7] =	ssyncadd.s32 $0xFFFFCF00  }
0x6f: {  	[tilespmem:s6], [sflag:$0x1] =	stream.indirect.gather [hbm4b:s3+s4], $0x80, s23, s4, $0xb8;
	[tilespmem:$0x7800] =	vst v63  }
0x70: {  	_ =	swait.ge [sflag:s10], $0x3100  }
0x71: {  	[sflag:s10] =	ssyncset.done $0x0  }
0x72: {  	[sflag:s10] =	ssyncadd.s32 $0xFFFFCF00  }
0x73: {  	[hbm4b:s2+s4] =	stream.indirect.scatter [tilespmem:s5], [sflag:$0x4], $0x80, s22, s4, $0xb8;
	[tilespmem:$0x7800] =	vst v63  }
0x74: {  	_ =	swait.ge [sflag:s8], $0x3100  }
0x75: {  	[sflag:s8] =	ssyncset.done $0x0  }
0x76: {  	[sflag:s8] =	ssyncadd.s32 $0xFFFFCF00  }
0x77: {  	[tilespmem:s5], [sflag:$0x2] =	stream.indirect.gather [hbm4b:s3+s4], $0x80, s21, s4, $0xb8;
	[tilespmem:$0x7800] =	vst v63  }
0x78: {  	_ =	swait.ge [sflag:s9], $0x3100  }
0x79: {  	[sflag:s9] =	ssyncset.done $0x0  }
0x7a: {  	[sflag:s9] =	ssyncadd.s32 $0xFFFFCF00  }
0x7b: {  	[hbm4b:s2+s4] =	stream.indirect.scatter [tilespmem:s6], [sflag:$0x3], $0x80, s20, s4, $0xb8;
	[tilespmem:$0x7800] =	vst v63  }
0x7c: {  	_ =	swait.ge [sflag:s7], $0x3100  }
0x7d: {  	[sflag:s7] =	ssyncset.done $0x0  }
0x7e: {  	[sflag:s7] =	ssyncadd.s32 $0xFFFFCF00  }
0x7f: {  	[tilespmem:s6], [sflag:$0x1] =	stream.indirect.gather [hbm4b:s3+s4], $0x80, s19, s4, $0xb8;
	[tilespmem:$0x7800] =	vst v63  }
0x80: {  	_ =	swait.ge [sflag:s10], $0x3100  }
0x81: {  	[sflag:s10] =	ssyncset.done $0x0  }
0x82: {  	[sflag:s10] =	ssyncadd.s32 $0xFFFFCF00  }
0x83: {  	[hbm4b:s2+s4] =	stream.indirect.scatter [tilespmem:s5], [sflag:$0x4], $0x80, s18, s4, $0xb8;
	[tilespmem:$0x7800] =	vst v63  }
0x84: {  	_ =	swait.ge [sflag:s8], $0x3100  }
0x85: {  	[sflag:s8] =	ssyncset.done $0x0  }
0x86: {  	[sflag:s8] =	ssyncadd.s32 $0xFFFFCF00  }
0x87: {  	[tilespmem:s5], [sflag:$0x2] =	stream.indirect.gather [hbm4b:s3+s4], $0x80, s16, s4, $0xb8;
	[tilespmem:$0x7800] =	vst v63  }
0x88: {  	_ =	swait.ge [sflag:s9], $0x3100  }
0x89: {  	[sflag:s9] =	ssyncset.done $0x0  }
0x8a: {  	[sflag:s9] =	ssyncadd.s32 $0xFFFFCF00  }
0x8b: {  	[hbm4b:s2+s4] =	stream.indirect.scatter [tilespmem:s6], [sflag:$0x3], $0x80, s17, s4, $0xb8;
	[tilespmem:$0x7800] =	vst v63  }
0x8c: {  	_ =	swait.ge [sflag:s7], $0x3100  }
0x8d: {  	[sflag:s7] =	ssyncset.done $0x0  }
0x8e: {  	[sflag:s7] =	ssyncadd.s32 $0xFFFFCF00  }
0x8f: {  	[tilespmem:s6], [sflag:$0x1] =	stream.indirect.gather [hbm4b:s3+s4], $0x80, s15, s4, $0xb8;
	[tilespmem:$0x7800] =	vst v63  }
0x90: {  	_ =	swait.ge [sflag:s10], $0x3100  }
0x91: {  	[sflag:s10] =	ssyncset.done $0x0  }
0x92: {  	[sflag:s10] =	ssyncadd.s32 $0xFFFFCF00  }
0x93: {  	[hbm4b:s2+s4] =	stream.indirect.scatter [tilespmem:s5], [sflag:$0x4], $0x80, s14, s4, $0xb8;
	[tilespmem:$0x7800] =	vst v63  }
0x94: {  	_ =	swait.ge [sflag:s8], $0x3100  }
0x95: {  	[sflag:s8] =	ssyncset.done $0x0  }
0x96: {  	[sflag:s8] =	ssyncadd.s32 $0xFFFFCF00  }
0x97: {  	[tilespmem:s5], [sflag:$0x2] =	stream.indirect.gather [hbm4b:s3+s4], $0x80, s13, s4, $0xb8;
	[tilespmem:$0x7800] =	vst v63  }
0x98: {  	_ =	swait.ge [sflag:s9], $0x3100  }
0x99: {  	[sflag:s9] =	ssyncset.done $0x0  }
0x9a: {  	[sflag:s9] =	ssyncadd.s32 $0xFFFFCF00  }
0x9b: {  	[hbm4b:s2+s4] =	stream.indirect.scatter [tilespmem:s6], [sflag:$0x3], $0x80, s12, s4, $0xb8;
	[tilespmem:$0x7800] =	vst v63  }
0x9c: {  	_ =	swait.ge [sflag:s10], $0x3100  }
0x9d: {  	[sflag:s10] =	ssyncset.done $0x0  }
0x9e: {  	p1 =	sne.s32 s1, $0x1;
	[sflag:s10] =	ssyncadd.s32 $0xFFFFCF00  }
0x9f: {  	[hbm4b:s2+s4] =	stream.indirect.scatter [tilespmem:s5], [sflag:$0x4], $0x80, s11, s4, $0xb8;
	[tilespmem:$0x7800] =	vst v63  }
.Ltmp1:
0xa0: {  	_ =	swait.ge [sflag:s7], $0x3100;
	(pc) =	sbr.rel @!p1 .LBB2_3-.Ltmp1, $4  }
0xa1: {  	[sflag:s7] =	ssyncset.done $0x0  }
0xa2: {  	[sflag:s7] =	ssyncadd.s32 $0xFFFFCF00  }
0xa3: {  	_ =	swait.ge [sflag:s8], $0x3100  }
0xa4: {  	s1 =	sadd.s32 $0xFFFFFFFF, s1;
	p0 =	por $0x1, $0x1;
	[sflag:s8] =	ssyncset.done $0x0  }
.LBB2_2:
0xa5: {  	s0 =	rddreg [dreg:$0x4];
	[sflag:s8] =	ssyncadd.s32 $0xFFFFCF00  }
0xa6: {  	[tilespmem:s29], [sflag:$0x5] =	stream.linear.gather [hbm4b:s0+s29], $0x800, $0x38;
	[tilespmem:$0x7800] =	vst v63  }
0xa7: {  	_ =	swait.ge [sflag:s30], $0x800  }
0xa8: {  	[sflag:s30] =	ssyncset.done $0x0  }
0xa9: {  	s0 =	rddreg [dreg:$0x5];
	[sflag:s30] =	ssyncadd.s32 $0xFFFFF800  }
0xaa: {  	[tilespmem:s31], [sflag:$0x5] =	stream.linear.gather [hbm4b:s0+s29], $0x800, $0x38;
	[tilespmem:$0x7800] =	vst v63  }
0xab: {  	_ =	swait.ge [sflag:s30], $0x800  }
0xac: {  	[sflag:s30] =	ssyncset.done $0x0  }
0xad: {  	[sflag:s30] =	ssyncadd.s32 $0xFFFFF800  }
0xae: {  	[tilespmem:s6], [sflag:$0x1] =	stream.indirect.gather [hbm4b:s3+s4], $0x80, s31, s4, $0xb8;
	[tilespmem:$0x7800] =	vst v63  }
0xaf: {  	s0 =	rddreg [dreg:$0x6]  }
0xb0: {  	[tilespmem:s5], [sflag:$0x2] =	stream.indirect.gather [hbm4b:s3+s4], $0x80, s0, s4, $0xb8;
	[tilespmem:$0x7800] =	vst v63  }
0xb1: {  	_ =	swait.ge [sflag:s9], $0x3100  }
0xb2: {  	[sflag:s9] =	ssyncset.done $0x0  }
0xb3: {  	[sflag:s9] =	ssyncadd.s32 $0xFFFFCF00  }
0xb4: {  	[hbm4b:s2+s4] =	stream.indirect.scatter [tilespmem:s6], [sflag:$0x3], $0x80, s29, s4, $0xb8;
	[tilespmem:$0x7800] =	vst v63  }
0xb5: {  	_ =	swait.ge [sflag:s7], $0x3100  }
0xb6: {  	[sflag:s7] =	ssyncset.done $0x0  }
0xb7: {  	s0 =	rddreg [dreg:$0x7];
	[sflag:s7] =	ssyncadd.s32 $0xFFFFCF00  }
0xb8: {  	[tilespmem:s6], [sflag:$0x1] =	stream.indirect.gather [hbm4b:s3+s4], $0x80, s0, s4, $0xb8;
	[tilespmem:$0x7800] =	vst v63  }
0xb9: {  	_ =	swait.ge [sflag:s10], $0x3100  }
0xba: {  	[sflag:s10] =	ssyncset.done $0x0  }
0xbb: {  	s0 =	rddreg [dreg:$0x8];
	[sflag:s10] =	ssyncadd.s32 $0xFFFFCF00  }
0xbc: {  	[hbm4b:s2+s4] =	stream.indirect.scatter [tilespmem:s5], [sflag:$0x4], $0x80, s0, s4, $0xb8;
	[tilespmem:$0x7800] =	vst v63  }
0xbd: {  	_ =	swait.ge [sflag:s8], $0x3100  }
0xbe: {  	[sflag:s8] =	ssyncset.done $0x0  }
0xbf: {  	s0 =	rddreg [dreg:$0x9];
	[sflag:s8] =	ssyncadd.s32 $0xFFFFCF00  }
0xc0: {  	[tilespmem:s5], [sflag:$0x2] =	stream.indirect.gather [hbm4b:s3+s4], $0x80, s0, s4, $0xb8;
	[tilespmem:$0x7800] =	vst v63  }
0xc1: {  	_ =	swait.ge [sflag:s9], $0x3100  }
0xc2: {  	[sflag:s9] =	ssyncset.done $0x0  }
0xc3: {  	s0 =	rddreg [dreg:$0xa];
	[sflag:s9] =	ssyncadd.s32 $0xFFFFCF00  }
0xc4: {  	[hbm4b:s2+s4] =	stream.indirect.scatter [tilespmem:s6], [sflag:$0x3], $0x80, s0, s4, $0xb8;
	[tilespmem:$0x7800] =	vst v63  }
0xc5: {  	_ =	swait.ge [sflag:s7], $0x3100  }
0xc6: {  	[sflag:s7] =	ssyncset.done $0x0  }
0xc7: {  	s0 =	rddreg [dreg:$0xb];
	[sflag:s7] =	ssyncadd.s32 $0xFFFFCF00  }
0xc8: {  	[tilespmem:s6], [sflag:$0x1] =	stream.indirect.gather [hbm4b:s3+s4], $0x80, s0, s4, $0xb8;
	[tilespmem:$0x7800] =	vst v63  }
0xc9: {  	_ =	swait.ge [sflag:s10], $0x3100  }
0xca: {  	[sflag:s10] =	ssyncset.done $0x0  }
0xcb: {  	s0 =	rddreg [dreg:$0xc];
	[sflag:s10] =	ssyncadd.s32 $0xFFFFCF00  }
0xcc: {  	[hbm4b:s2+s4] =	stream.indirect.scatter [tilespmem:s5], [sflag:$0x4], $0x80, s0, s4, $0xb8;
	[tilespmem:$0x7800] =	vst v63  }
0xcd: {  	_ =	swait.ge [sflag:s8], $0x3100  }
0xce: {  	[sflag:s8] =	ssyncset.done $0x0  }
0xcf: {  	s0 =	rddreg [dreg:$0xd];
	[sflag:s8] =	ssyncadd.s32 $0xFFFFCF00  }
0xd0: {  	[tilespmem:s5], [sflag:$0x2] =	stream.indirect.gather [hbm4b:s3+s4], $0x80, s0, s4, $0xb8;
	[tilespmem:$0x7800] =	vst v63  }
0xd1: {  	_ =	swait.ge [sflag:s9], $0x3100  }
0xd2: {  	[sflag:s9] =	ssyncset.done $0x0  }
0xd3: {  	s0 =	rddreg [dreg:$0xe];
	[sflag:s9] =	ssyncadd.s32 $0xFFFFCF00  }
0xd4: {  	[hbm4b:s2+s4] =	stream.indirect.scatter [tilespmem:s6], [sflag:$0x3], $0x80, s0, s4, $0xb8;
	[tilespmem:$0x7800] =	vst v63  }
0xd5: {  	_ =	swait.ge [sflag:s7], $0x3100  }
0xd6: {  	[sflag:s7] =	ssyncset.done $0x0  }
0xd7: {  	s0 =	rddreg [dreg:$0xf];
	[sflag:s7] =	ssyncadd.s32 $0xFFFFCF00  }
0xd8: {  	[tilespmem:s6], [sflag:$0x1] =	stream.indirect.gather [hbm4b:s3+s4], $0x80, s0, s4, $0xb8;
	[tilespmem:$0x7800] =	vst v63  }
0xd9: {  	_ =	swait.ge [sflag:s10], $0x3100  }
0xda: {  	[sflag:s10] =	ssyncset.done $0x0  }
0xdb: {  	s0 =	rddreg [dreg:$0x10];
	[sflag:s10] =	ssyncadd.s32 $0xFFFFCF00  }
0xdc: {  	[hbm4b:s2+s4] =	stream.indirect.scatter [tilespmem:s5], [sflag:$0x4], $0x80, s0, s4, $0xb8;
	[tilespmem:$0x7800] =	vst v63  }
0xdd: {  	_ =	swait.ge [sflag:s8], $0x3100  }
0xde: {  	[sflag:s8] =	ssyncset.done $0x0  }
0xdf: {  	s0 =	rddreg [dreg:$0x11];
	[sflag:s8] =	ssyncadd.s32 $0xFFFFCF00  }
0xe0: {  	[tilespmem:s5], [sflag:$0x2] =	stream.indirect.gather [hbm4b:s3+s4], $0x80, s0, s4, $0xb8;
	[tilespmem:$0x7800] =	vst v63  }
0xe1: {  	_ =	swait.ge [sflag:s9], $0x3100  }
0xe2: {  	[sflag:s9] =	ssyncset.done $0x0  }
0xe3: {  	s0 =	rddreg [dreg:$0x12];
	[sflag:s9] =	ssyncadd.s32 $0xFFFFCF00  }
0xe4: {  	[hbm4b:s2+s4] =	stream.indirect.scatter [tilespmem:s6], [sflag:$0x3], $0x80, s0, s4, $0xb8;
	[tilespmem:$0x7800] =	vst v63  }
0xe5: {  	_ =	swait.ge [sflag:s7], $0x3100  }
0xe6: {  	[sflag:s7] =	ssyncset.done $0x0  }
0xe7: {  	[sflag:s7] =	ssyncadd.s32 $0xFFFFCF00  }
0xe8: {  	[tilespmem:s6], [sflag:$0x1] =	stream.indirect.gather [hbm4b:s3+s4], $0x80, s28, s4, $0xb8;
	[tilespmem:$0x7800] =	vst v63  }
0xe9: {  	_ =	swait.ge [sflag:s10], $0x3100  }
0xea: {  	[sflag:s10] =	ssyncset.done $0x0  }
0xeb: {  	[sflag:s10] =	ssyncadd.s32 $0xFFFFCF00  }
0xec: {  	[hbm4b:s2+s4] =	stream.indirect.scatter [tilespmem:s5], [sflag:$0x4], $0x80, s26, s4, $0xb8;
	[tilespmem:$0x7800] =	vst v63  }
0xed: {  	_ =	swait.ge [sflag:s8], $0x3100  }
0xee: {  	[sflag:s8] =	ssyncset.done $0x0  }
0xef: {  	[sflag:s8] =	ssyncadd.s32 $0xFFFFCF00  }
0xf0: {  	[tilespmem:s5], [sflag:$0x2] =	stream.indirect.gather [hbm4b:s3+s4], $0x80, s25, s4, $0xb8;
	[tilespmem:$0x7800] =	vst v63  }
0xf1: {  	_ =	swait.ge [sflag:s9], $0x3100  }
0xf2: {  	[sflag:s9] =	ssyncset.done $0x0  }
0xf3: {  	[sflag:s9] =	ssyncadd.s32 $0xFFFFCF00  }
0xf4: {  	[hbm4b:s2+s4] =	stream.indirect.scatter [tilespmem:s6], [sflag:$0x3], $0x80, s24, s4, $0xb8;
	[tilespmem:$0x7800] =	vst v63  }
0xf5: {  	_ =	swait.ge [sflag:s7], $0x3100  }
0xf6: {  	[sflag:s7] =	ssyncset.done $0x0  }
0xf7: {  	[sflag:s7] =	ssyncadd.s32 $0xFFFFCF00  }
0xf8: {  	[tilespmem:s6], [sflag:$0x1] =	stream.indirect.gather [hbm4b:s3+s4], $0x80, s23, s4, $0xb8;
	[tilespmem:$0x7800] =	vst v63  }
0xf9: {  	_ =	swait.ge [sflag:s10], $0x3100  }
0xfa: {  	[sflag:s10] =	ssyncset.done $0x0  }
0xfb: {  	[sflag:s10] =	ssyncadd.s32 $0xFFFFCF00  }
0xfc: {  	[hbm4b:s2+s4] =	stream.indirect.scatter [tilespmem:s5], [sflag:$0x4], $0x80, s22, s4, $0xb8;
	[tilespmem:$0x7800] =	vst v63  }
0xfd: {  	_ =	swait.ge [sflag:s8], $0x3100  }
0xfe: {  	[sflag:s8] =	ssyncset.done $0x0  }
0xff: {  	[sflag:s8] =	ssyncadd.s32 $0xFFFFCF00  }
0x100: {  	[tilespmem:s5], [sflag:$0x2] =	stream.indirect.gather [hbm4b:s3+s4], $0x80, s21, s4, $0xb8;
	[tilespmem:$0x7800] =	vst v63  }
0x101: {  	_ =	swait.ge [sflag:s9], $0x3100  }
0x102: {  	[sflag:s9] =	ssyncset.done $0x0  }
0x103: {  	[sflag:s9] =	ssyncadd.s32 $0xFFFFCF00  }
0x104: {  	[hbm4b:s2+s4] =	stream.indirect.scatter [tilespmem:s6], [sflag:$0x3], $0x80, s20, s4, $0xb8;
	[tilespmem:$0x7800] =	vst v63  }
0x105: {  	_ =	swait.ge [sflag:s7], $0x3100  }
0x106: {  	[sflag:s7] =	ssyncset.done $0x0  }
0x107: {  	[sflag:s7] =	ssyncadd.s32 $0xFFFFCF00  }
0x108: {  	[tilespmem:s6], [sflag:$0x1] =	stream.indirect.gather [hbm4b:s3+s4], $0x80, s19, s4, $0xb8;
	[tilespmem:$0x7800] =	vst v63  }
0x109: {  	_ =	swait.ge [sflag:s10], $0x3100  }
0x10a: {  	[sflag:s10] =	ssyncset.done $0x0  }
0x10b: {  	[sflag:s10] =	ssyncadd.s32 $0xFFFFCF00  }
0x10c: {  	[hbm4b:s2+s4] =	stream.indirect.scatter [tilespmem:s5], [sflag:$0x4], $0x80, s18, s4, $0xb8;
	[tilespmem:$0x7800] =	vst v63  }
0x10d: {  	_ =	swait.ge [sflag:s8], $0x3100  }
0x10e: {  	[sflag:s8] =	ssyncset.done $0x0  }
0x10f: {  	[sflag:s8] =	ssyncadd.s32 $0xFFFFCF00  }
0x110: {  	[tilespmem:s5], [sflag:$0x2] =	stream.indirect.gather [hbm4b:s3+s4], $0x80, s16, s4, $0xb8;
	[tilespmem:$0x7800] =	vst v63  }
0x111: {  	_ =	swait.ge [sflag:s9], $0x3100  }
0x112: {  	[sflag:s9] =	ssyncset.done $0x0  }
0x113: {  	[sflag:s9] =	ssyncadd.s32 $0xFFFFCF00  }
0x114: {  	[hbm4b:s2+s4] =	stream.indirect.scatter [tilespmem:s6], [sflag:$0x3], $0x80, s17, s4, $0xb8;
	[tilespmem:$0x7800] =	vst v63  }
0x115: {  	_ =	swait.ge [sflag:s7], $0x3100  }
0x116: {  	[sflag:s7] =	ssyncset.done $0x0  }
0x117: {  	[sflag:s7] =	ssyncadd.s32 $0xFFFFCF00  }
0x118: {  	[tilespmem:s6], [sflag:$0x1] =	stream.indirect.gather [hbm4b:s3+s4], $0x80, s15, s4, $0xb8;
	[tilespmem:$0x7800] =	vst v63  }
0x119: {  	_ =	swait.ge [sflag:s10], $0x3100  }
0x11a: {  	[sflag:s10] =	ssyncset.done $0x0  }
0x11b: {  	[sflag:s10] =	ssyncadd.s32 $0xFFFFCF00  }
0x11c: {  	[hbm4b:s2+s4] =	stream.indirect.scatter [tilespmem:s5], [sflag:$0x4], $0x80, s14, s4, $0xb8;
	[tilespmem:$0x7800] =	vst v63  }
0x11d: {  	_ =	swait.ge [sflag:s8], $0x3100  }
0x11e: {  	[sflag:s8] =	ssyncset.done $0x0  }
0x11f: {  	[sflag:s8] =	ssyncadd.s32 $0xFFFFCF00  }
0x120: {  	[tilespmem:s5], [sflag:$0x2] =	stream.indirect.gather [hbm4b:s3+s4], $0x80, s13, s4, $0xb8;
	[tilespmem:$0x7800] =	vst v63  }
0x121: {  	_ =	swait.ge [sflag:s9], $0x3100  }
0x122: {  	[sflag:s9] =	ssyncset.done $0x0  }
0x123: {  	[sflag:s9] =	ssyncadd.s32 $0xFFFFCF00  }
0x124: {  	[hbm4b:s2+s4] =	stream.indirect.scatter [tilespmem:s6], [sflag:$0x3], $0x80, s12, s4, $0xb8;
	[tilespmem:$0x7800] =	vst v63  }
0x125: {  	_ =	swait.ge [sflag:s10], $0x3100  }
0x126: {  	[sflag:s10] =	ssyncset.done $0x0  }
0x127: {  	p1 =	sne.s32 s1, $0x1;
	[sflag:s10] =	ssyncadd.s32 $0xFFFFCF00  }
0x128: {  	[hbm4b:s2+s4] =	stream.indirect.scatter [tilespmem:s5], [sflag:$0x4], $0x80, s11, s4, $0xb8;
	[tilespmem:$0x7800] =	vst v63  }
.Ltmp2:
0x129: {  	_ =	swait.ge [sflag:s7], $0x3100;
	(pc) =	sbr.rel @p1 .LBB2_2-.Ltmp2, $4  }
0x12a: {  	[sflag:s7] =	ssyncset.done $0x0  }
0x12b: {  	[sflag:s7] =	ssyncadd.s32 $0xFFFFCF00  }
0x12c: {  	_ =	swait.ge [sflag:s8], $0x3100  }
0x12d: {  	s1 =	sadd.s32 $0xFFFFFFFF, s1;
	[sflag:s8] =	ssyncset.done $0x0  }
.LBB2_3:
0x12e: {  	s0 =	rddreg [dreg:$0x4];
	[sflag:s8] =	ssyncadd.s32 @p0 $0xFFFFCF00  }
0x12f: {  	[tilespmem:s29], [sflag:$0x5] =	stream.linear.gather [hbm4b:s0+s29], $0x800, $0x38;
	[tilespmem:$0x7800] =	vst v63  }
0x130: {  	_ =	swait.ge [sflag:s30], $0x800  }
0x131: {  	[sflag:s30] =	ssyncset.done $0x0  }
0x132: {  	s1 =	rddreg [dreg:$0x5];
	[sflag:s30] =	ssyncadd.s32 $0xFFFFF800  }
0x133: {  	[tilespmem:s31], [sflag:$0x5] =	stream.linear.gather [hbm4b:s1+s29], $0x800, $0x38;
	[tilespmem:$0x7800] =	vst v63  }
0x134: {  	_ =	swait.ge [sflag:s30], $0x800  }
0x135: {  	[sflag:s30] =	ssyncset.done $0x0  }
0x136: {  	[sflag:s30] =	ssyncadd.s32 $0xFFFFF800  }
0x137: {  	[tilespmem:s6], [sflag:$0x1] =	stream.indirect.gather [hbm4b:s3+s4], $0x80, s31, s4, $0xb8;
	[tilespmem:$0x7800] =	vst v63  }
0x138: {  	s30 =	rddreg [dreg:$0x6]  }
0x139: {  	[tilespmem:s5], [sflag:$0x2] =	stream.indirect.gather [hbm4b:s3+s4], $0x80, s30, s4, $0xb8;
	[tilespmem:$0x7800] =	vst v63  }
0x13a: {  	_ =	swait.ge [sflag:s9], $0x3100  }
0x13b: {  	[sflag:s9] =	ssyncset.done $0x0  }
0x13c: {  	[sflag:s9] =	ssyncadd.s32 $0xFFFFCF00  }
0x13d: {  	[hbm4b:s2+s4] =	stream.indirect.scatter [tilespmem:s6], [sflag:$0x3], $0x80, s29, s4, $0xb8;
	[tilespmem:$0x7800] =	vst v63  }
0x13e: {  	_ =	swait.ge [sflag:s7], $0x3100  }
0x13f: {  	[sflag:s7] =	ssyncset.done $0x0  }
0x140: {  	s31 =	rddreg [dreg:$0x7];
	[sflag:s7] =	ssyncadd.s32 $0xFFFFCF00  }
0x141: {  	[tilespmem:s6], [sflag:$0x1] =	stream.indirect.gather [hbm4b:s3+s4], $0x80, s31, s4, $0xb8;
	[tilespmem:$0x7800] =	vst v63  }
0x142: {  	_ =	swait.ge [sflag:s10], $0x3100  }
0x143: {  	[sflag:s10] =	ssyncset.done $0x0  }
0x144: {  	s1 =	rddreg [dreg:$0x8];
	[sflag:s10] =	ssyncadd.s32 $0xFFFFCF00  }
0x145: {  	[hbm4b:s2+s4] =	stream.indirect.scatter [tilespmem:s5], [sflag:$0x4], $0x80, s1, s4, $0xb8;
	[tilespmem:$0x7800] =	vst v63  }
0x146: {  	_ =	swait.ge [sflag:s8], $0x3100  }
0x147: {  	[sflag:s8] =	ssyncset.done $0x0  }
0x148: {  	s29 =	rddreg [dreg:$0x9];
	[sflag:s8] =	ssyncadd.s32 $0xFFFFCF00  }
0x149: {  	[tilespmem:s5], [sflag:$0x2] =	stream.indirect.gather [hbm4b:s3+s4], $0x80, s29, s4, $0xb8;
	[tilespmem:$0x7800] =	vst v63  }
0x14a: {  	_ =	swait.ge [sflag:s9], $0x3100  }
0x14b: {  	[sflag:s9] =	ssyncset.done $0x0  }
0x14c: {  	s30 =	rddreg [dreg:$0xa];
	[sflag:s9] =	ssyncadd.s32 $0xFFFFCF00  }
0x14d: {  	[hbm4b:s2+s4] =	stream.indirect.scatter [tilespmem:s6], [sflag:$0x3], $0x80, s30, s4, $0xb8;
	[tilespmem:$0x7800] =	vst v63  }
0x14e: {  	_ =	swait.ge [sflag:s7], $0x3100  }
0x14f: {  	[sflag:s7] =	ssyncset.done $0x0  }
0x150: {  	s31 =	rddreg [dreg:$0xb];
	[sflag:s7] =	ssyncadd.s32 $0xFFFFCF00  }
0x151: {  	[tilespmem:s6], [sflag:$0x1] =	stream.indirect.gather [hbm4b:s3+s4], $0x80, s31, s4, $0xb8;
	[tilespmem:$0x7800] =	vst v63  }
0x152: {  	_ =	swait.ge [sflag:s10], $0x3100  }
0x153: {  	[sflag:s10] =	ssyncset.done $0x0  }
0x154: {  	s1 =	rddreg [dreg:$0xc];
	[sflag:s10] =	ssyncadd.s32 $0xFFFFCF00  }
0x155: {  	[hbm4b:s2+s4] =	stream.indirect.scatter [tilespmem:s5], [sflag:$0x4], $0x80, s1, s4, $0xb8;
	[tilespmem:$0x7800] =	vst v63  }
0x156: {  	_ =	swait.ge [sflag:s8], $0x3100  }
0x157: {  	[sflag:s8] =	ssyncset.done $0x0  }
0x158: {  	s29 =	rddreg [dreg:$0xd];
	[sflag:s8] =	ssyncadd.s32 $0xFFFFCF00  }
0x159: {  	[tilespmem:s5], [sflag:$0x2] =	stream.indirect.gather [hbm4b:s3+s4], $0x80, s29, s4, $0xb8;
	[tilespmem:$0x7800] =	vst v63  }
0x15a: {  	_ =	swait.ge [sflag:s9], $0x3100  }
0x15b: {  	[sflag:s9] =	ssyncset.done $0x0  }
0x15c: {  	s30 =	rddreg [dreg:$0xe];
	[sflag:s9] =	ssyncadd.s32 $0xFFFFCF00  }
0x15d: {  	[hbm4b:s2+s4] =	stream.indirect.scatter [tilespmem:s6], [sflag:$0x3], $0x80, s30, s4, $0xb8;
	[tilespmem:$0x7800] =	vst v63  }
0x15e: {  	_ =	swait.ge [sflag:s7], $0x3100  }
0x15f: {  	[sflag:s7] =	ssyncset.done $0x0  }
0x160: {  	s31 =	rddreg [dreg:$0xf];
	[sflag:s7] =	ssyncadd.s32 $0xFFFFCF00  }
0x161: {  	[tilespmem:s6], [sflag:$0x1] =	stream.indirect.gather [hbm4b:s3+s4], $0x80, s31, s4, $0xb8;
	[tilespmem:$0x7800] =	vst v63  }
0x162: {  	_ =	swait.ge [sflag:s10], $0x3100  }
0x163: {  	[sflag:s10] =	ssyncset.done $0x0  }
0x164: {  	s1 =	rddreg [dreg:$0x10];
	[sflag:s10] =	ssyncadd.s32 $0xFFFFCF00  }
0x165: {  	[hbm4b:s2+s4] =	stream.indirect.scatter [tilespmem:s5], [sflag:$0x4], $0x80, s1, s4, $0xb8;
	[tilespmem:$0x7800] =	vst v63  }
0x166: {  	_ =	swait.ge [sflag:s8], $0x3100  }
0x167: {  	[sflag:s8] =	ssyncset.done $0x0  }
0x168: {  	s29 =	rddreg [dreg:$0x11];
	[sflag:s8] =	ssyncadd.s32 $0xFFFFCF00  }
0x169: {  	[tilespmem:s5], [sflag:$0x2] =	stream.indirect.gather [hbm4b:s3+s4], $0x80, s29, s4, $0xb8;
	[tilespmem:$0x7800] =	vst v63  }
0x16a: {  	_ =	swait.ge [sflag:s9], $0x3100  }
0x16b: {  	[sflag:s9] =	ssyncset.done $0x0  }
0x16c: {  	s30 =	rddreg [dreg:$0x12];
	[sflag:s9] =	ssyncadd.s32 $0xFFFFCF00  }
0x16d: {  	[hbm4b:s2+s4] =	stream.indirect.scatter [tilespmem:s6], [sflag:$0x3], $0x80, s30, s4, $0xb8;
	[tilespmem:$0x7800] =	vst v63  }
0x16e: {  	_ =	swait.ge [sflag:s7], $0x3100  }
0x16f: {  	[sflag:s7] =	ssyncset.done $0x0  }
0x170: {  	[sflag:s7] =	ssyncadd.s32 $0xFFFFCF00  }
0x171: {  	[tilespmem:s6], [sflag:$0x1] =	stream.indirect.gather [hbm4b:s3+s4], $0x80, s28, s4, $0xb8;
	[tilespmem:$0x7800] =	vst v63  }
0x172: {  	_ =	swait.ge [sflag:s10], $0x3100  }
0x173: {  	[sflag:s10] =	ssyncset.done $0x0  }
0x174: {  	[sflag:s10] =	ssyncadd.s32 $0xFFFFCF00  }
0x175: {  	[hbm4b:s2+s4] =	stream.indirect.scatter [tilespmem:s5], [sflag:$0x4], $0x80, s26, s4, $0xb8;
	[tilespmem:$0x7800] =	vst v63  }
0x176: {  	_ =	swait.ge [sflag:s8], $0x3100  }
0x177: {  	[sflag:s8] =	ssyncset.done $0x0  }
0x178: {  	[sflag:s8] =	ssyncadd.s32 $0xFFFFCF00  }
0x179: {  	[tilespmem:s5], [sflag:$0x2] =	stream.indirect.gather [hbm4b:s3+s4], $0x80, s25, s4, $0xb8;
	[tilespmem:$0x7800] =	vst v63  }
0x17a: {  	_ =	swait.ge [sflag:s9], $0x3100  }
0x17b: {  	[sflag:s9] =	ssyncset.done $0x0  }
0x17c: {  	[sflag:s9] =	ssyncadd.s32 $0xFFFFCF00  }
0x17d: {  	[hbm4b:s2+s4] =	stream.indirect.scatter [tilespmem:s6], [sflag:$0x3], $0x80, s24, s4, $0xb8;
	[tilespmem:$0x7800] =	vst v63  }
0x17e: {  	_ =	swait.ge [sflag:s7], $0x3100  }
0x17f: {  	[sflag:s7] =	ssyncset.done $0x0  }
0x180: {  	[sflag:s7] =	ssyncadd.s32 $0xFFFFCF00  }
0x181: {  	[tilespmem:s6], [sflag:$0x1] =	stream.indirect.gather [hbm4b:s3+s4], $0x80, s23, s4, $0xb8;
	[tilespmem:$0x7800] =	vst v63  }
0x182: {  	_ =	swait.ge [sflag:s10], $0x3100  }
0x183: {  	[sflag:s10] =	ssyncset.done $0x0  }
0x184: {  	[sflag:s10] =	ssyncadd.s32 $0xFFFFCF00  }
0x185: {  	[hbm4b:s2+s4] =	stream.indirect.scatter [tilespmem:s5], [sflag:$0x4], $0x80, s22, s4, $0xb8;
	[tilespmem:$0x7800] =	vst v63  }
0x186: {  	_ =	swait.ge [sflag:s8], $0x3100  }
0x187: {  	[sflag:s8] =	ssyncset.done $0x0  }
0x188: {  	[sflag:s8] =	ssyncadd.s32 $0xFFFFCF00  }
0x189: {  	[tilespmem:s5], [sflag:$0x2] =	stream.indirect.gather [hbm4b:s3+s4], $0x80, s21, s4, $0xb8;
	[tilespmem:$0x7800] =	vst v63  }
0x18a: {  	_ =	swait.ge [sflag:s9], $0x3100  }
0x18b: {  	[sflag:s9] =	ssyncset.done $0x0  }
0x18c: {  	[sflag:s9] =	ssyncadd.s32 $0xFFFFCF00  }
0x18d: {  	[hbm4b:s2+s4] =	stream.indirect.scatter [tilespmem:s6], [sflag:$0x3], $0x80, s20, s4, $0xb8;
	[tilespmem:$0x7800] =	vst v63  }
0x18e: {  	_ =	swait.ge [sflag:s7], $0x3100  }
0x18f: {  	[sflag:s7] =	ssyncset.done $0x0  }
0x190: {  	[sflag:s7] =	ssyncadd.s32 $0xFFFFCF00  }
0x191: {  	[tilespmem:s6], [sflag:$0x1] =	stream.indirect.gather [hbm4b:s3+s4], $0x80, s19, s4, $0xb8;
	[tilespmem:$0x7800] =	vst v63  }
0x192: {  	_ =	swait.ge [sflag:s10], $0x3100  }
0x193: {  	[sflag:s10] =	ssyncset.done $0x0  }
0x194: {  	[sflag:s10] =	ssyncadd.s32 $0xFFFFCF00  }
0x195: {  	[hbm4b:s2+s4] =	stream.indirect.scatter [tilespmem:s5], [sflag:$0x4], $0x80, s18, s4, $0xb8;
	[tilespmem:$0x7800] =	vst v63  }
0x196: {  	_ =	swait.ge [sflag:s8], $0x3100  }
0x197: {  	[sflag:s8] =	ssyncset.done $0x0  }
0x198: {  	[sflag:s8] =	ssyncadd.s32 $0xFFFFCF00  }
0x199: {  	[tilespmem:s5], [sflag:$0x2] =	stream.indirect.gather [hbm4b:s3+s4], $0x80, s16, s4, $0xb8;
	[tilespmem:$0x7800] =	vst v63  }
0x19a: {  	_ =	swait.ge [sflag:s9], $0x3100  }
0x19b: {  	[sflag:s9] =	ssyncset.done $0x0  }
0x19c: {  	[sflag:s9] =	ssyncadd.s32 $0xFFFFCF00  }
0x19d: {  	[hbm4b:s2+s4] =	stream.indirect.scatter [tilespmem:s6], [sflag:$0x3], $0x80, s17, s4, $0xb8;
	[tilespmem:$0x7800] =	vst v63  }
0x19e: {  	_ =	swait.ge [sflag:s7], $0x3100  }
0x19f: {  	[sflag:s7] =	ssyncset.done $0x0  }
0x1a0: {  	[sflag:s7] =	ssyncadd.s32 $0xFFFFCF00  }
0x1a1: {  	[tilespmem:s6], [sflag:$0x1] =	stream.indirect.gather [hbm4b:s3+s4], $0x80, s15, s4, $0xb8;
	[tilespmem:$0x7800] =	vst v63  }
0x1a2: {  	_ =	swait.ge [sflag:s10], $0x3100  }
0x1a3: {  	[sflag:s10] =	ssyncset.done $0x0  }
0x1a4: {  	[sflag:s10] =	ssyncadd.s32 $0xFFFFCF00  }
0x1a5: {  	[hbm4b:s2+s4] =	stream.indirect.scatter [tilespmem:s5], [sflag:$0x4], $0x80, s14, s4, $0xb8;
	[tilespmem:$0x7800] =	vst v63  }
0x1a6: {  	_ =	swait.ge [sflag:s8], $0x3100  }
0x1a7: {  	[sflag:s8] =	ssyncset.done $0x0  }
0x1a8: {  	[sflag:s8] =	ssyncadd.s32 $0xFFFFCF00  }
0x1a9: {  	[tilespmem:s5], [sflag:$0x2] =	stream.indirect.gather [hbm4b:s3+s4], $0x80, s13, s4, $0xb8;
	[tilespmem:$0x7800] =	vst v63  }
0x1aa: {  	_ =	swait.ge [sflag:s9], $0x3100  }
0x1ab: {  	[sflag:s9] =	ssyncset.done $0x0  }
0x1ac: {  	[sflag:s9] =	ssyncadd.s32 $0xFFFFCF00  }
0x1ad: {  	[hbm4b:s2+s4] =	stream.indirect.scatter [tilespmem:s6], [sflag:$0x3], $0x80, s12, s4, $0xb8;
	[tilespmem:$0x7800] =	vst v63  }
0x1ae: {  	_ =	swait.ge [sflag:s10], $0x3100  }
0x1af: {  	[sflag:s10] =	ssyncset.done $0x0  }
0x1b0: {  	[sflag:s10] =	ssyncadd.s32 $0xFFFFCF00  }
0x1b1: {  	[hbm4b:s2+s4] =	stream.indirect.scatter [tilespmem:s5], [sflag:$0x4], $0x80, s11, s4, $0xb8;
	[tilespmem:$0x7800] =	vst v63  }
0x1b2: {  	_ =	swait.ge [sflag:s7], $0x3100  }
0x1b3: {  	[sflag:s7] =	ssyncset.done $0x0  }
0x1b4: {  	[sflag:s7] =	ssyncadd.s32 $0xFFFFCF00  }
0x1b5: {  	_ =	swait.ge [sflag:s8], $0x3100  }
0x1b6: {  	[sflag:s8] =	ssyncset.done $0x0  }
0x1b7: {  	[sflag:s8] =	ssyncadd.s32 $0xFFFFCF00  }
0x1b8: {  	_ =	sfence.sel $0x180000  }
0x1b9: {  	[bflag:$0x0] =	sbarrier.arrive $0xFFFF  }
0x1ba: {  	_ =	strace $0x90000047  }
0x1bb: {  	s31 =	stileid.u32;
	[bflag:$0x2] =	sbarrier.arrive $0xFFFF  }
0x1bc: {  	p0 =	sne.s32 s31, $0x0;
	s0 =	rddreg [dreg:$0x3]  }
0x1bd: {  	s0 =	sadd.s32 @!p0 $0x100000, s0  }
0x1be: {  	[sflag:s0] =	ssyncadd.tile.s32 @!p0 $0x1;
	_ =	shalt  }
.Lfunc_end2:
_tile_overlayer_lowered:
.L_overlay_start_2:
0x1bf: {  	(tag) =	ssettag $0x2  }
0x1c0: {  	s0 =	rddreg [dreg:$0x0];
	s2 =	stileid.u32  }
0x1c1: {  	s1 =	rddreg [dreg:$0x1];
	p0 =	sne.s32 s2, $0x0  }
0x1c2: {  	s3 =	rddreg [dreg:$0x2];
	[bflag:$0x3] =	sbarrier.arrive $0xFFFF;
	s2 =	simm.s32 @!p0 $0x1C05  }
0x1c3: {  	[timem:s3], [sflag:s2] =	dma.local @!p0 [hbm:s0], s1  }
0x1c4: {  	s0 =	simm.s32 @!p0 $0x5  }
0x1c5: {  	_ =	swait.ge @!p0 [sflag:s0], s1  }
0x1c6: {  	s1 =	ssub.s32 @!p0 $0x0, s1;
	[sflag:s0] =	ssyncset.done @!p0 $0x0  }
0x1c7: {  	[sflag:s0] =	ssyncadd.s32 @!p0 s1  }
0x1c8: {  	[bflag:$0x3] =	sbarrier.arrive $0xFFFF  }
0x1c9: {  	_ =	shalt  }

</sc_bundles>
